<compile_context>
chip_gen: v7x
topology: tpu7x:2x2x1
jax: 0.10.2.dev20260603
libtpu: 0.0.44.dev20260713+nightly
codegen_flags: <defaults>
</compile_context>

<pallas_src>
import jax
import jax.numpy as jnp
from jax import lax
from jax.experimental import pallas as pl
from jax.experimental.pallas import tpu as pltpu
from jax.experimental.pallas import tpu_sc as plsc

_B, _C, _A = 64, 81, 8732
_MIN_HARD_NEG = 3
_LAMBD = 1.0
_NLANE = 16
_NFULL = _A // _NLANE
_TAIL_BASE = _A - _NLANE
_TAIL_START = _NFULL * _NLANE


def _tc_main(pred_cls_ref, target_cls_ref, out_cls_ref, out_np_ref,
             conf_s, ps_s, np_s, rs_s):
    i = pl.program_id(0)
    for sub in range(2):
        row = 2 * i + sub
        x = pred_cls_ref[sub]
        tcls = target_cls_ref[pl.ds(row, 1), :]
        m = jnp.max(x, axis=0, keepdims=True)
        s = jnp.sum(jnp.exp(x - m), axis=0, keepdims=True)
        cls_iota = jax.lax.broadcasted_iota(jnp.int32, (_C, _A), 0)
        xt = jnp.sum(jnp.where(cls_iota == tcls, x, 0.0), axis=0, keepdims=True)
        conf = m + jnp.log(s) - xt

        mask = tcls > 0
        maskf = mask.astype(jnp.float32)
        conf_neg = jnp.where(mask, 0.0, jnp.maximum(conf, 0.0))

        conf_s[pl.ds(row, 1), :] = conf_neg
        ps_s[pl.ds(row, 1), :] = jnp.full((1, 128), jnp.sum(conf * maskf), jnp.float32)
        np_s[pl.ds(row, 1), :] = jnp.full((1, 128), jnp.sum(maskf), jnp.float32)
        rs_s[pl.ds(row, 1), :] = jnp.full((1, 128), jnp.sum(conf_neg), jnp.float32)

    @pl.when(i == _B // 2 - 1)
    def _finalize():
        pos_sum = ps_s[:, 0:1]
        num_pos = np_s[:, 0:1]
        rowsum = rs_s[:, 0:1]

        negf = float(_A) - num_pos
        kf = jnp.minimum(_MIN_HARD_NEG * num_pos, negf)
        fast = kf >= negf

        def _fast_fn(_):
            return rowsum

        def _slow_fn(_):
            v = conf_s[...]
            bv = jax.lax.bitcast_convert_type(v, jnp.int32)

            def body(_, carry):
                lo, hi = carry
                mid = lo + (hi - lo) // 2
                cnt = jnp.sum((bv > mid).astype(jnp.float32), axis=1,
                              keepdims=True)
                ge = cnt >= kf
                return jnp.where(ge, mid + 1, lo), jnp.where(ge, hi, mid)

            lo0 = jnp.zeros((_B, 1), jnp.int32)
            hi0 = jnp.full((_B, 1), 0x7F800000, jnp.int32)
            _, tbits = jax.lax.fori_loop(0, 31, body, (lo0, hi0))
            t = jax.lax.bitcast_convert_type(tbits, jnp.float32)
            gt = bv > tbits
            c_gt = jnp.sum(gt.astype(jnp.float32), axis=1, keepdims=True)
            sum_gt = jnp.sum(jnp.where(gt, v, 0.0), axis=1, keepdims=True)
            return jnp.where(fast, rowsum, sum_gt + (kf - c_gt) * t)

        topk0 = jax.lax.cond(jnp.all(fast), _fast_fn, _slow_fn, 0)
        topk = jnp.where(kf >= 0.5, topk0, 0.0)

        cls_loss = pos_sum + topk
        out_cls_ref[...] = jnp.broadcast_to(cls_loss, (_B, 128))
        out_np_ref[...] = jnp.broadcast_to(num_pos, (_B, 128))


def _sc_box(pb_hbm, tb_hbm, tcls_hbm, out_hbm, pb_v, tb_v, tc_v, acc_v):
    wid = lax.axis_index("s") * 2 + lax.axis_index("c")
    pltpu.sync_copy(tcls_hbm.at[pl.ds(wid * 2 * _A, 2 * _A)], tc_v)

    for rsub in range(2):
        r = wid * 2 + rsub
        pltpu.sync_copy(pb_hbm.at[r], pb_v)
        pltpu.sync_copy(tb_hbm.at[r], tb_v)

        def smooth_l1(base):
            s = jnp.zeros((_NLANE,), jnp.float32)
            for c in range(4):
                d = (pb_v[pl.ds(c * _A + base, _NLANE)]
                     - tb_v[pl.ds(c * _A + base, _NLANE)])
                ad = jnp.abs(d)
                s = s + jnp.where(ad < 1.0, 0.5 * d * d, ad - 0.5)
            return s

        def chunk(j, acc):
            base = j * _NLANE
            mask = tc_v[pl.ds(rsub * _A + base, _NLANE)] > 0
            return acc + jnp.where(mask, smooth_l1(base), 0.0)

        acc = lax.fori_loop(0, _NFULL, chunk, jnp.zeros((_NLANE,), jnp.float32))
        lane = lax.iota(jnp.int32, _NLANE)
        mask = (tc_v[pl.ds(rsub * _A + _TAIL_BASE, _NLANE)] > 0) & (
            lane >= (_TAIL_START - _TAIL_BASE))
        acc = acc + jnp.where(mask, smooth_l1(_TAIL_BASE), 0.0)

        acc_v[...] = acc
        pltpu.sync_copy(acc_v, out_hbm.at[r])


def _tc_combine(cls_ref, np_ref, box_ref, out_ref):
    cls_loss = cls_ref[:, 0:1]
    num_pos = np_ref[:, 0:1]
    box_loss = jnp.sum(box_ref[...], axis=1, keepdims=True)

    total_loss = cls_loss + _LAMBD * box_loss
    num_mask = (num_pos > 0.0).astype(jnp.float32)
    pos_den = jnp.sum(jnp.clip(num_pos, 1e-6, None))
    cls_out = jnp.sum(cls_loss * num_mask) / pos_den
    box_out = jnp.sum(box_loss * num_mask) / pos_den
    tot_out = jnp.sum(total_loss * num_mask) / pos_den

    out_ref[0:1, :] = jnp.full((1, 128), cls_out, jnp.float32)
    out_ref[1:2, :] = jnp.full((1, 128), box_out, jnp.float32)
    out_ref[2:3, :] = jnp.full((1, 128), tot_out, jnp.float32)


def kernel(pred_cls, pred_boxes, target_cls, target_boxes):
    out_cls, out_np = pl.pallas_call(
        _tc_main,
        grid=(_B // 2,),
        in_specs=[
            pl.BlockSpec((2, _C, _A), lambda i: (i, 0, 0)),
            pl.BlockSpec((_B, _A), lambda i: (0, 0)),
        ],
        out_specs=[
            pl.BlockSpec((_B, 128), lambda i: (0, 0)),
            pl.BlockSpec((_B, 128), lambda i: (0, 0)),
        ],
        out_shape=[
            jax.ShapeDtypeStruct((_B, 128), jnp.float32),
            jax.ShapeDtypeStruct((_B, 128), jnp.float32),
        ],
        scratch_shapes=[
            pltpu.VMEM((_B, _A), jnp.float32),
            pltpu.VMEM((_B, 128), jnp.float32),
            pltpu.VMEM((_B, 128), jnp.float32),
            pltpu.VMEM((_B, 128), jnp.float32),
        ],
    )(pred_cls, target_cls)

    box_part = pl.kernel(
        _sc_box,
        out_type=jax.ShapeDtypeStruct((_B, _NLANE), jnp.float32),
        mesh=plsc.VectorSubcoreMesh(core_axis_name="c", subcore_axis_name="s"),
        scratch_types=[
            pltpu.VMEM((4 * _A,), jnp.float32),
            pltpu.VMEM((4 * _A,), jnp.float32),
            pltpu.VMEM((2 * _A,), jnp.int32),
            pltpu.VMEM((_NLANE,), jnp.float32),
        ],
    )(pred_boxes.reshape(_B, 4 * _A), target_boxes.reshape(_B, 4 * _A),
      target_cls.reshape(_B * _A))

    out = pl.pallas_call(
        _tc_combine,
        out_shape=jax.ShapeDtypeStruct((8, 128), jnp.float32),
    )(out_cls, out_np, box_part)
    return (out[0, 0], out[1, 0], out[2, 0])

# --- scband reference (transcript-rebuilt; emitter-appended) ---
"""Pipeline reference for scband-ssdloss-69277822484543 (READ-ONLY COPY).

The authoritative reference and input builder live on the scoring server;
editing this copy changes nothing except your own understanding.
"""

import jax, jax.numpy as jnp
import numpy as np

B, C, A = 64, 81, 8732
MIN_HARD_NEG = 3
LAMBD = 1.0


def setup_inputs(seed: int = 0) -> dict:
    key = jax.random.key(seed)
    k1, k2, k3, k4 = jax.random.split(key, 4)
    return {
        "pred_cls": jax.random.normal(k1, (B, C, A), dtype=jnp.float32),
        "pred_boxes": jax.random.normal(k2, (B, 4, A), dtype=jnp.float32),
        "target_cls": jax.random.randint(k3, (B, A), 0, C, dtype=jnp.int32),
        "target_boxes": jax.random.normal(k4, (B, 4, A), dtype=jnp.float32),
    }


def _smooth_l1(p, t):
    d = p - t
    ad = jnp.abs(d)
    return jnp.where(ad < 1.0, 0.5 * d * d, ad - 0.5)


def reference(pred_cls, pred_boxes, target_cls, target_boxes):
    mask = target_cls > 0
    maskf = mask.astype(jnp.float32)
    num_pos = mask.sum(axis=1)

    # box loss: SmoothL1 summed over the 4 coords, masked to positives
    box_l = _smooth_l1(pred_boxes, target_boxes).sum(axis=1)  # [B, A]
    box_loss = (maskf * box_l).sum(axis=1)  # [B]

    # per-anchor cross entropy (logits over class dim = axis 1)
    logp = jax.nn.log_softmax(pred_cls, axis=1)  # [B, C, A]
    confidence = -jnp.take_along_axis(logp, target_cls[:, None, :], axis=1)[:, 0, :]  # [B, A]

    # hard negative mining via double argsort rank
    confidence_neg = jnp.where(mask, 0.0, confidence)
    neg_idx = jnp.argsort(-confidence_neg, axis=1)  # descending sort indices
    neg_rank = jnp.argsort(neg_idx, axis=1)
    n_anchors = mask.shape[1]
    neg_num = jnp.minimum(MIN_HARD_NEG * num_pos, n_anchors - num_pos)[:, None]
    neg_mask = (neg_rank < neg_num).astype(jnp.float32)

    cls_loss = (confidence * (maskf + neg_mask)).sum(axis=1)  # [B]
    total_loss = cls_loss + LAMBD * box_loss

    num_mask = (num_pos > 0).astype(jnp.float32)
    pos_num = jnp.clip(num_pos.astype(jnp.float32), 1e-06, None).sum()

    cls_out = (cls_loss * num_mask / pos_num).sum()
    box_out = (box_loss * num_mask / pos_num).sum()
    tot_out = (total_loss * num_mask / pos_num).sum()
    return (cls_out, box_out, tot_out)

if __name__ == "__main__":
    import jax
    _d = setup_inputs()
    print(jax.jit(kernel)(*tuple(_d.values())))

</pallas_src>

<mosaic_0001>
#map = affine_map<(d0, d1) -> (0, 0)>
#map1 = affine_map<(d0, d1) -> (0)>
module attributes {stable_mosaic.version = 14 : i64} {
  func.func @_sc_box(%arg0: i32, %arg1: i32, %arg2: memref<64x34928xf32, #tpu.memory_space<hbm>>, %arg3: memref<64x34928xf32, #tpu.memory_space<hbm>>, %arg4: memref<558848xi32, #tpu.memory_space<hbm>>, %arg5: memref<64x16xf32, #tpu.memory_space<hbm>>, %arg6: memref<34928xf32, #tpu.memory_space<vmem>>, %arg7: memref<34928xf32, #tpu.memory_space<vmem>>, %arg8: memref<17464xi32, #tpu.memory_space<vmem>>, %arg9: memref<16xf32, #tpu.memory_space<vmem>>) attributes {dimension_semantics = [#tpu.dimension_semantics<core_parallel>, #tpu.dimension_semantics<subcore_parallel>], iteration_bounds = array<i64: 2, 16>, scalar_prefetch = 0 : i64, scratch_operands = 4 : i64, tpu.core_type = #tpu.core_type<sc_vector_subcore>, window_params = [{transform_indices = #map}, {transform_indices = #map}, {transform_indices = #map1}, {transform_indices = #map}]} {
    %mul3A = arith.constant 2 : i32
    %mul3A_0 = arith.muli %arg1, %mul3A : i32
    %add3A = arith.addi %mul3A_0, %arg0 : i32
    %mul3A_1 = arith.constant 2 : i32
    %mul3A_2 = arith.muli %add3A, %mul3A_1 : i32
    %mul3A_3 = arith.constant 8732 : i32
    %mul3A_4 = arith.muli %mul3A_2, %mul3A_3 : i32
    "tpu.region"() ({
      %run_scoped3A = tpu.sem_alloc : memref<!tpu.dma_semaphore, #tpu.memory_space<semaphore_mem>>
      %dma_start3A = tpu.memref_slice %arg4[%mul3A_4] : memref<558848xi32, #tpu.memory_space<hbm>> -> memref<17464xi32, #tpu.memory_space<hbm>>
      %dma_start3A_218 = tpu.memref_slice %arg4[%mul3A_4] : memref<558848xi32, #tpu.memory_space<hbm>> -> memref<17464xi32, #tpu.memory_space<hbm>>
      tpu.enqueue_dma source(%dma_start3A_218 : memref<17464xi32, #tpu.memory_space<hbm>>) target(%arg8 : memref<17464xi32, #tpu.memory_space<vmem>>) target_semaphore(%run_scoped3A : memref<!tpu.dma_semaphore, #tpu.memory_space<semaphore_mem>>)
      %dma_wait3A = tpu.memref_slice %arg4[%mul3A_4] : memref<558848xi32, #tpu.memory_space<hbm>> -> memref<17464xi32, #tpu.memory_space<hbm>>
      %dma_wait3A_219 = tpu.memref_slice %arg4[%mul3A_4] : memref<558848xi32, #tpu.memory_space<hbm>> -> memref<17464xi32, #tpu.memory_space<hbm>>
      tpu.wait_dma2 semaphore(%run_scoped3A : memref<!tpu.dma_semaphore, #tpu.memory_space<semaphore_mem>>) src(%dma_wait3A_219 : memref<17464xi32, #tpu.memory_space<hbm>>) dst(%arg8 : memref<17464xi32, #tpu.memory_space<vmem>>)
      tpu.yield
    }) : () -> ()
    %mul3A_5 = arith.constant 2 : i32
    %mul3A_6 = arith.muli %add3A, %mul3A_5 : i32
    %add3A_7 = arith.constant 0 : i32
    %add3A_8 = arith.addi %mul3A_6, %add3A_7 : i32
    "tpu.region"() ({
      %run_scoped3A = tpu.sem_alloc : memref<!tpu.dma_semaphore, #tpu.memory_space<semaphore_mem>>
      %dma_start3A = arith.constant 0 : i32
      %dma_start3A_218 = tpu.memref_slice %arg2[%add3A_8, %dma_start3A] : memref<64x34928xf32, #tpu.memory_space<hbm>> -> memref<1x34928xf32, #tpu.memory_space<hbm>>
      %dma_start3A_219 = tpu.memref_squeeze %dma_start3A_218 : memref<1x34928xf32, #tpu.memory_space<hbm>> -> memref<34928xf32, #tpu.memory_space<hbm>>
      %dma_start3A_220 = arith.constant 0 : i32
      %dma_start3A_221 = tpu.memref_slice %arg2[%add3A_8, %dma_start3A_220] : memref<64x34928xf32, #tpu.memory_space<hbm>> -> memref<1x34928xf32, #tpu.memory_space<hbm>>
      %dma_start3A_222 = tpu.memref_squeeze %dma_start3A_221 : memref<1x34928xf32, #tpu.memory_space<hbm>> -> memref<34928xf32, #tpu.memory_space<hbm>>
      tpu.enqueue_dma source(%dma_start3A_222 : memref<34928xf32, #tpu.memory_space<hbm>>) target(%arg6 : memref<34928xf32, #tpu.memory_space<vmem>>) target_semaphore(%run_scoped3A : memref<!tpu.dma_semaphore, #tpu.memory_space<semaphore_mem>>)
      %dma_wait3A = arith.constant 0 : i32
      %dma_wait3A_223 = tpu.memref_slice %arg2[%add3A_8, %dma_wait3A] : memref<64x34928xf32, #tpu.memory_space<hbm>> -> memref<1x34928xf32, #tpu.memory_space<hbm>>
      %dma_wait3A_224 = tpu.memref_squeeze %dma_wait3A_223 : memref<1x34928xf32, #tpu.memory_space<hbm>> -> memref<34928xf32, #tpu.memory_space<hbm>>
      %dma_wait3A_225 = arith.constant 0 : i32
      %dma_wait3A_226 = tpu.memref_slice %arg2[%add3A_8, %dma_wait3A_225] : memref<64x34928xf32, #tpu.memory_space<hbm>> -> memref<1x34928xf32, #tpu.memory_space<hbm>>
      %dma_wait3A_227 = tpu.memref_squeeze %dma_wait3A_226 : memref<1x34928xf32, #tpu.memory_space<hbm>> -> memref<34928xf32, #tpu.memory_space<hbm>>
      tpu.wait_dma2 semaphore(%run_scoped3A : memref<!tpu.dma_semaphore, #tpu.memory_space<semaphore_mem>>) src(%dma_wait3A_227 : memref<34928xf32, #tpu.memory_space<hbm>>) dst(%arg6 : memref<34928xf32, #tpu.memory_space<vmem>>)
      tpu.yield
    }) : () -> ()
    "tpu.region"() ({
      %run_scoped3A = tpu.sem_alloc : memref<!tpu.dma_semaphore, #tpu.memory_space<semaphore_mem>>
      %dma_start3A = arith.constant 0 : i32
      %dma_start3A_218 = tpu.memref_slice %arg3[%add3A_8, %dma_start3A] : memref<64x34928xf32, #tpu.memory_space<hbm>> -> memref<1x34928xf32, #tpu.memory_space<hbm>>
      %dma_start3A_219 = tpu.memref_squeeze %dma_start3A_218 : memref<1x34928xf32, #tpu.memory_space<hbm>> -> memref<34928xf32, #tpu.memory_space<hbm>>
      %dma_start3A_220 = arith.constant 0 : i32
      %dma_start3A_221 = tpu.memref_slice %arg3[%add3A_8, %dma_start3A_220] : memref<64x34928xf32, #tpu.memory_space<hbm>> -> memref<1x34928xf32, #tpu.memory_space<hbm>>
      %dma_start3A_222 = tpu.memref_squeeze %dma_start3A_221 : memref<1x34928xf32, #tpu.memory_space<hbm>> -> memref<34928xf32, #tpu.memory_space<hbm>>
      tpu.enqueue_dma source(%dma_start3A_222 : memref<34928xf32, #tpu.memory_space<hbm>>) target(%arg7 : memref<34928xf32, #tpu.memory_space<vmem>>) target_semaphore(%run_scoped3A : memref<!tpu.dma_semaphore, #tpu.memory_space<semaphore_mem>>)
      %dma_wait3A = arith.constant 0 : i32
      %dma_wait3A_223 = tpu.memref_slice %arg3[%add3A_8, %dma_wait3A] : memref<64x34928xf32, #tpu.memory_space<hbm>> -> memref<1x34928xf32, #tpu.memory_space<hbm>>
      %dma_wait3A_224 = tpu.memref_squeeze %dma_wait3A_223 : memref<1x34928xf32, #tpu.memory_space<hbm>> -> memref<34928xf32, #tpu.memory_space<hbm>>
      %dma_wait3A_225 = arith.constant 0 : i32
      %dma_wait3A_226 = tpu.memref_slice %arg3[%add3A_8, %dma_wait3A_225] : memref<64x34928xf32, #tpu.memory_space<hbm>> -> memref<1x34928xf32, #tpu.memory_space<hbm>>
      %dma_wait3A_227 = tpu.memref_squeeze %dma_wait3A_226 : memref<1x34928xf32, #tpu.memory_space<hbm>> -> memref<34928xf32, #tpu.memory_space<hbm>>
      tpu.wait_dma2 semaphore(%run_scoped3A : memref<!tpu.dma_semaphore, #tpu.memory_space<semaphore_mem>>) src(%dma_wait3A_227 : memref<34928xf32, #tpu.memory_space<hbm>>) dst(%arg7 : memref<34928xf32, #tpu.memory_space<vmem>>)
      tpu.yield
    }) : () -> ()
    %broadcast_in_dim3A = arith.constant 0.000000e+00 : f32
    %broadcast_in_dim3A_9 = vector.broadcast %broadcast_in_dim3A : f32 to vector<16xf32>
    %scan3A = arith.constant 0 : i32
    %scan3A_10 = arith.constant 545 : i32
    %scan3A_11 = arith.addi %scan3A, %scan3A_10 : i32
    %scan3A_12 = arith.constant 1 : i32
    %scan3A_13 = scf.for %scan3A_218 = %scan3A to %scan3A_11 step %scan3A_12 iter_args(%scan3A_219 = %broadcast_in_dim3A_9) -> (vector<16xf32>)  : i32 {
      %mul3A_220 = arith.constant 16 : i32
      %mul3A_221 = arith.muli %scan3A_218, %mul3A_220 : i32
      %add3A_222 = arith.constant 0 : i32
      %add3A_223 = arith.addi %add3A_222, %mul3A_221 : i32
      %get3A_224 = arith.index_cast %add3A_223 : i32 to index
      %get3A_225 = tpu.vector_load %arg8[%get3A_224] {strides = array<i32>} : memref<17464xi32, #tpu.memory_space<vmem>>, vector<16xi32>,
      %get3A_226 = vector.shape_cast %get3A_225 : vector<16xi32> to vector<16xi32>
      %gt3A_227 = arith.constant 0 : i32
      %gt3A_228 = vector.broadcast %gt3A_227 : i32 to vector<16xi32>
      %gt3A_229 = arith.cmpi sgt, %get3A_226, %gt3A_228 : vector<16xi32>
      %broadcast_in_dim3A_230 = arith.constant 0.000000e+00 : f32
      %broadcast_in_dim3A_231 = vector.broadcast %broadcast_in_dim3A_230 : f32 to vector<16xf32>
      %add3A_232 = arith.constant 0 : i32
      %add3A_233 = arith.addi %add3A_232, %mul3A_221 : i32
      %get3A_234 = arith.index_cast %add3A_233 : i32 to index
      %get3A_235 = tpu.vector_load %arg6[%get3A_234] {strides = array<i32>} : memref<34928xf32, #tpu.memory_space<vmem>>, vector<16xf32>,
      %get3A_236 = vector.shape_cast %get3A_235 : vector<16xf32> to vector<16xf32>
      %add3A_237 = arith.constant 0 : i32
      %add3A_238 = arith.addi %add3A_237, %mul3A_221 : i32
      %get3A_239 = arith.index_cast %add3A_238 : i32 to index
      %get3A_240 = tpu.vector_load %arg7[%get3A_239] {strides = array<i32>} : memref<34928xf32, #tpu.memory_space<vmem>>, vector<16xf32>,
      %get3A_241 = vector.shape_cast %get3A_240 : vector<16xf32> to vector<16xf32>
      %sub3A_242 = arith.subf %get3A_236, %get3A_241 : vector<16xf32>
      %abs3A_243 = math.absf %sub3A_242 : vector<16xf32>
      %lt3A_244 = arith.constant 1.000000e+00 : f32
      %lt3A_245 = vector.broadcast %lt3A_244 : f32 to vector<16xf32>
      %lt3A_246 = arith.cmpf olt, %abs3A_243, %lt3A_245 : vector<16xf32>
      %mul3A_247 = arith.constant 5.000000e-01 : f32
      %mul3A_248 = vector.broadcast %mul3A_247 : f32 to vector<16xf32>
      %mul3A_249 = arith.mulf %mul3A_248, %sub3A_242 : vector<16xf32>
      %mul3A_250 = arith.mulf %mul3A_249, %sub3A_242 : vector<16xf32>
      %sub3A_251 = arith.constant 5.000000e-01 : f32
      %sub3A_252 = vector.broadcast %sub3A_251 : f32 to vector<16xf32>
      %sub3A_253 = arith.subf %abs3A_243, %sub3A_252 : vector<16xf32>
      %select_n3A_254 = arith.select %lt3A_246, %mul3A_250, %sub3A_253 : vector<16xi1>, vector<16xf32>
      %add3A_255 = arith.addf %broadcast_in_dim3A_231, %select_n3A_254 : vector<16xf32>
      %add3A_256 = arith.constant 8732 : i32
      %add3A_257 = arith.addi %add3A_256, %mul3A_221 : i32
      %get3A_258 = arith.index_cast %add3A_257 : i32 to index
      %get3A_259 = tpu.vector_load %arg6[%get3A_258] {strides = array<i32>} : memref<34928xf32, #tpu.memory_space<vmem>>, vector<16xf32>,
      %get3A_260 = vector.shape_cast %get3A_259 : vector<16xf32> to vector<16xf32>
      %add3A_261 = arith.constant 8732 : i32
      %add3A_262 = arith.addi %add3A_261, %mul3A_221 : i32
      %get3A_263 = arith.index_cast %add3A_262 : i32 to index
      %get3A_264 = tpu.vector_load %arg7[%get3A_263] {strides = array<i32>} : memref<34928xf32, #tpu.memory_space<vmem>>, vector<16xf32>,
      %get3A_265 = vector.shape_cast %get3A_264 : vector<16xf32> to vector<16xf32>
      %sub3A_266 = arith.subf %get3A_260, %get3A_265 : vector<16xf32>
      %abs3A_267 = math.absf %sub3A_266 : vector<16xf32>
      %lt3A_268 = arith.constant 1.000000e+00 : f32
      %lt3A_269 = vector.broadcast %lt3A_268 : f32 to vector<16xf32>
      %lt3A_270 = arith.cmpf olt, %abs3A_267, %lt3A_269 : vector<16xf32>
      %mul3A_271 = arith.constant 5.000000e-01 : f32
      %mul3A_272 = vector.broadcast %mul3A_271 : f32 to vector<16xf32>
      %mul3A_273 = arith.mulf %mul3A_272, %sub3A_266 : vector<16xf32>
      %mul3A_274 = arith.mulf %mul3A_273, %sub3A_266 : vector<16xf32>
      %sub3A_275 = arith.constant 5.000000e-01 : f32
      %sub3A_276 = vector.broadcast %sub3A_275 : f32 to vector<16xf32>
      %sub3A_277 = arith.subf %abs3A_267, %sub3A_276 : vector<16xf32>
      %select_n3A_278 = arith.select %lt3A_270, %mul3A_274, %sub3A_277 : vector<16xi1>, vector<16xf32>
      %add3A_279 = arith.addf %add3A_255, %select_n3A_278 : vector<16xf32>
      %add3A_280 = arith.constant 17464 : i32
      %add3A_281 = arith.addi %add3A_280, %mul3A_221 : i32
      %get3A_282 = arith.index_cast %add3A_281 : i32 to index
      %get3A_283 = tpu.vector_load %arg6[%get3A_282] {strides = array<i32>} : memref<34928xf32, #tpu.memory_space<vmem>>, vector<16xf32>,
      %get3A_284 = vector.shape_cast %get3A_283 : vector<16xf32> to vector<16xf32>
      %add3A_285 = arith.constant 17464 : i32
      %add3A_286 = arith.addi %add3A_285, %mul3A_221 : i32
      %get3A_287 = arith.index_cast %add3A_286 : i32 to index
      %get3A_288 = tpu.vector_load %arg7[%get3A_287] {strides = array<i32>} : memref<34928xf32, #tpu.memory_space<vmem>>, vector<16xf32>,
      %get3A_289 = vector.shape_cast %get3A_288 : vector<16xf32> to vector<16xf32>
      %sub3A_290 = arith.subf %get3A_284, %get3A_289 : vector<16xf32>
      %abs3A_291 = math.absf %sub3A_290 : vector<16xf32>
      %lt3A_292 = arith.constant 1.000000e+00 : f32
      %lt3A_293 = vector.broadcast %lt3A_292 : f32 to vector<16xf32>
      %lt3A_294 = arith.cmpf olt, %abs3A_291, %lt3A_293 : vector<16xf32>
      %mul3A_295 = arith.constant 5.000000e-01 : f32
      %mul3A_296 = vector.broadcast %mul3A_295 : f32 to vector<16xf32>
      %mul3A_297 = arith.mulf %mul3A_296, %sub3A_290 : vector<16xf32>
      %mul3A_298 = arith.mulf %mul3A_297, %sub3A_290 : vector<16xf32>
      %sub3A_299 = arith.constant 5.000000e-01 : f32
      %sub3A_300 = vector.broadcast %sub3A_299 : f32 to vector<16xf32>
      %sub3A_301 = arith.subf %abs3A_291, %sub3A_300 : vector<16xf32>
      %select_n3A_302 = arith.select %lt3A_294, %mul3A_298, %sub3A_301 : vector<16xi1>, vector<16xf32>
      %add3A_303 = arith.addf %add3A_279, %select_n3A_302 : vector<16xf32>
      %add3A_304 = arith.constant 26196 : i32
      %add3A_305 = arith.addi %add3A_304, %mul3A_221 : i32
      %get3A_306 = arith.index_cast %add3A_305 : i32 to index
      %get3A_307 = tpu.vector_load %arg6[%get3A_306] {strides = array<i32>} : memref<34928xf32, #tpu.memory_space<vmem>>, vector<16xf32>,
      %get3A_308 = vector.shape_cast %get3A_307 : vector<16xf32> to vector<16xf32>
      %add3A_309 = arith.constant 26196 : i32
      %add3A_310 = arith.addi %add3A_309, %mul3A_221 : i32
      %get3A_311 = arith.index_cast %add3A_310 : i32 to index
      %get3A_312 = tpu.vector_load %arg7[%get3A_311] {strides = array<i32>} : memref<34928xf32, #tpu.memory_space<vmem>>, vector<16xf32>,
      %get3A_313 = vector.shape_cast %get3A_312 : vector<16xf32> to vector<16xf32>
      %sub3A_314 = arith.subf %get3A_308, %get3A_313 : vector<16xf32>
      %abs3A_315 = math.absf %sub3A_314 : vector<16xf32>
      %lt3A_316 = arith.constant 1.000000e+00 : f32
      %lt3A_317 = vector.broadcast %lt3A_316 : f32 to vector<16xf32>
      %lt3A_318 = arith.cmpf olt, %abs3A_315, %lt3A_317 : vector<16xf32>
      %mul3A_319 = arith.constant 5.000000e-01 : f32
      %mul3A_320 = vector.broadcast %mul3A_319 : f32 to vector<16xf32>
      %mul3A_321 = arith.mulf %mul3A_320, %sub3A_314 : vector<16xf32>
      %mul3A_322 = arith.mulf %mul3A_321, %sub3A_314 : vector<16xf32>
      %sub3A_323 = arith.constant 5.000000e-01 : f32
      %sub3A_324 = vector.broadcast %sub3A_323 : f32 to vector<16xf32>
      %sub3A_325 = arith.subf %abs3A_315, %sub3A_324 : vector<16xf32>
      %select_n3A_326 = arith.select %lt3A_318, %mul3A_322, %sub3A_325 : vector<16xi1>, vector<16xf32>
      %add3A_327 = arith.addf %add3A_303, %select_n3A_326 : vector<16xf32>
      %jit3A_328 = arith.constant 0.000000e+00 : f32
      %broadcast_in_dim3A_329 = vector.broadcast %jit3A_328 : f32 to vector<16xf32>
      %select_n3A_330 = arith.select %gt3A_229, %add3A_327, %broadcast_in_dim3A_329 : vector<16xi1>, vector<16xf32>
      %add3A_331 = arith.addf %scan3A_219, %select_n3A_330 : vector<16xf32>
      scf.yield %add3A_331 : vector<16xf32>
    }
    %scan3A_14 = arith.constant 545 : i32
    %iota3A = tpu.iota {dimensions = array<i32: 0>} : vector<16xi32>
    %get3A = arith.constant 8716 : index
    %get3A_15 = tpu.vector_load %arg8[%get3A] {strides = array<i32>} : memref<17464xi32, #tpu.memory_space<vmem>>, vector<16xi32>,
    %get3A_16 = vector.shape_cast %get3A_15 : vector<16xi32> to vector<16xi32>
    %gt3A = arith.constant 0 : i32
    %gt3A_17 = vector.broadcast %gt3A : i32 to vector<16xi32>
    %gt3A_18 = arith.cmpi sgt, %get3A_16, %gt3A_17 : vector<16xi32>
    %ge3A = arith.constant 4 : i32
    %ge3A_19 = vector.broadcast %ge3A : i32 to vector<16xi32>
    %ge3A_20 = arith.cmpi sge, %iota3A, %ge3A_19 : vector<16xi32>
    %and3A = arith.andi %gt3A_18, %ge3A_20 : vector<16xi1>
    %broadcast_in_dim3A_21 = arith.constant 0.000000e+00 : f32
    %broadcast_in_dim3A_22 = vector.broadcast %broadcast_in_dim3A_21 : f32 to vector<16xf32>
    %get3A_23 = arith.constant 8716 : index
    %get3A_24 = tpu.vector_load %arg6[%get3A_23] {strides = array<i32>} : memref<34928xf32, #tpu.memory_space<vmem>>, vector<16xf32>,
    %get3A_25 = vector.shape_cast %get3A_24 : vector<16xf32> to vector<16xf32>
    %get3A_26 = arith.constant 8716 : index
    %get3A_27 = tpu.vector_load %arg7[%get3A_26] {strides = array<i32>} : memref<34928xf32, #tpu.memory_space<vmem>>, vector<16xf32>,
    %get3A_28 = vector.shape_cast %get3A_27 : vector<16xf32> to vector<16xf32>
    %sub3A = arith.subf %get3A_25, %get3A_28 : vector<16xf32>
    %abs3A = math.absf %sub3A : vector<16xf32>
    %lt3A = arith.constant 1.000000e+00 : f32
    %lt3A_29 = vector.broadcast %lt3A : f32 to vector<16xf32>
    %lt3A_30 = arith.cmpf olt, %abs3A, %lt3A_29 : vector<16xf32>
    %mul3A_31 = arith.constant 5.000000e-01 : f32
    %mul3A_32 = vector.broadcast %mul3A_31 : f32 to vector<16xf32>
    %mul3A_33 = arith.mulf %mul3A_32, %sub3A : vector<16xf32>
    %mul3A_34 = arith.mulf %mul3A_33, %sub3A : vector<16xf32>
    %sub3A_35 = arith.constant 5.000000e-01 : f32
    %sub3A_36 = vector.broadcast %sub3A_35 : f32 to vector<16xf32>
    %sub3A_37 = arith.subf %abs3A, %sub3A_36 : vector<16xf32>
    %select_n3A = arith.select %lt3A_30, %mul3A_34, %sub3A_37 : vector<16xi1>, vector<16xf32>
    %add3A_38 = arith.addf %broadcast_in_dim3A_22, %select_n3A : vector<16xf32>
    %get3A_39 = arith.constant 17448 : index
    %get3A_40 = tpu.vector_load %arg6[%get3A_39] {strides = array<i32>} : memref<34928xf32, #tpu.memory_space<vmem>>, vector<16xf32>,
    %get3A_41 = vector.shape_cast %get3A_40 : vector<16xf32> to vector<16xf32>
    %get3A_42 = arith.constant 17448 : index
    %get3A_43 = tpu.vector_load %arg7[%get3A_42] {strides = array<i32>} : memref<34928xf32, #tpu.memory_space<vmem>>, vector<16xf32>,
    %get3A_44 = vector.shape_cast %get3A_43 : vector<16xf32> to vector<16xf32>
    %sub3A_45 = arith.subf %get3A_41, %get3A_44 : vector<16xf32>
    %abs3A_46 = math.absf %sub3A_45 : vector<16xf32>
    %lt3A_47 = arith.constant 1.000000e+00 : f32
    %lt3A_48 = vector.broadcast %lt3A_47 : f32 to vector<16xf32>
    %lt3A_49 = arith.cmpf olt, %abs3A_46, %lt3A_48 : vector<16xf32>
    %mul3A_50 = arith.constant 5.000000e-01 : f32
    %mul3A_51 = vector.broadcast %mul3A_50 : f32 to vector<16xf32>
    %mul3A_52 = arith.mulf %mul3A_51, %sub3A_45 : vector<16xf32>
    %mul3A_53 = arith.mulf %mul3A_52, %sub3A_45 : vector<16xf32>
    %sub3A_54 = arith.constant 5.000000e-01 : f32
    %sub3A_55 = vector.broadcast %sub3A_54 : f32 to vector<16xf32>
    %sub3A_56 = arith.subf %abs3A_46, %sub3A_55 : vector<16xf32>
    %select_n3A_57 = arith.select %lt3A_49, %mul3A_53, %sub3A_56 : vector<16xi1>, vector<16xf32>
    %add3A_58 = arith.addf %add3A_38, %select_n3A_57 : vector<16xf32>
    %get3A_59 = arith.constant 26180 : index
    %get3A_60 = tpu.vector_load %arg6[%get3A_59] {strides = array<i32>} : memref<34928xf32, #tpu.memory_space<vmem>>, vector<16xf32>,
    %get3A_61 = vector.shape_cast %get3A_60 : vector<16xf32> to vector<16xf32>
    %get3A_62 = arith.constant 26180 : index
    %get3A_63 = tpu.vector_load %arg7[%get3A_62] {strides = array<i32>} : memref<34928xf32, #tpu.memory_space<vmem>>, vector<16xf32>,
    %get3A_64 = vector.shape_cast %get3A_63 : vector<16xf32> to vector<16xf32>
    %sub3A_65 = arith.subf %get3A_61, %get3A_64 : vector<16xf32>
    %abs3A_66 = math.absf %sub3A_65 : vector<16xf32>
    %lt3A_67 = arith.constant 1.000000e+00 : f32
    %lt3A_68 = vector.broadcast %lt3A_67 : f32 to vector<16xf32>
    %lt3A_69 = arith.cmpf olt, %abs3A_66, %lt3A_68 : vector<16xf32>
    %mul3A_70 = arith.constant 5.000000e-01 : f32
    %mul3A_71 = vector.broadcast %mul3A_70 : f32 to vector<16xf32>
    %mul3A_72 = arith.mulf %mul3A_71, %sub3A_65 : vector<16xf32>
    %mul3A_73 = arith.mulf %mul3A_72, %sub3A_65 : vector<16xf32>
    %sub3A_74 = arith.constant 5.000000e-01 : f32
    %sub3A_75 = vector.broadcast %sub3A_74 : f32 to vector<16xf32>
    %sub3A_76 = arith.subf %abs3A_66, %sub3A_75 : vector<16xf32>
    %select_n3A_77 = arith.select %lt3A_69, %mul3A_73, %sub3A_76 : vector<16xi1>, vector<16xf32>
    %add3A_78 = arith.addf %add3A_58, %select_n3A_77 : vector<16xf32>
    %get3A_79 = arith.constant 34912 : index
    %get3A_80 = tpu.vector_load %arg6[%get3A_79] {strides = array<i32>} : memref<34928xf32, #tpu.memory_space<vmem>>, vector<16xf32>,
    %get3A_81 = vector.shape_cast %get3A_80 : vector<16xf32> to vector<16xf32>
    %get3A_82 = arith.constant 34912 : index
    %get3A_83 = tpu.vector_load %arg7[%get3A_82] {strides = array<i32>} : memref<34928xf32, #tpu.memory_space<vmem>>, vector<16xf32>,
    %get3A_84 = vector.shape_cast %get3A_83 : vector<16xf32> to vector<16xf32>
    %sub3A_85 = arith.subf %get3A_81, %get3A_84 : vector<16xf32>
    %abs3A_86 = math.absf %sub3A_85 : vector<16xf32>
    %lt3A_87 = arith.constant 1.000000e+00 : f32
    %lt3A_88 = vector.broadcast %lt3A_87 : f32 to vector<16xf32>
    %lt3A_89 = arith.cmpf olt, %abs3A_86, %lt3A_88 : vector<16xf32>
    %mul3A_90 = arith.constant 5.000000e-01 : f32
    %mul3A_91 = vector.broadcast %mul3A_90 : f32 to vector<16xf32>
    %mul3A_92 = arith.mulf %mul3A_91, %sub3A_85 : vector<16xf32>
    %mul3A_93 = arith.mulf %mul3A_92, %sub3A_85 : vector<16xf32>
    %sub3A_94 = arith.constant 5.000000e-01 : f32
    %sub3A_95 = vector.broadcast %sub3A_94 : f32 to vector<16xf32>
    %sub3A_96 = arith.subf %abs3A_86, %sub3A_95 : vector<16xf32>
    %select_n3A_97 = arith.select %lt3A_89, %mul3A_93, %sub3A_96 : vector<16xi1>, vector<16xf32>
    %add3A_98 = arith.addf %add3A_78, %select_n3A_97 : vector<16xf32>
    %jit3A = arith.constant 0.000000e+00 : f32
    %broadcast_in_dim3A_99 = vector.broadcast %jit3A : f32 to vector<16xf32>
    %select_n3A_100 = arith.select %and3A, %add3A_98, %broadcast_in_dim3A_99 : vector<16xi1>, vector<16xf32>
    %add3A_101 = arith.addf %scan3A_13, %select_n3A_100 : vector<16xf32>
    %swap3A = arith.constant 0 : index
    %swap3A_102 = tpu.vector_load %arg9[%swap3A] {strides = array<i32>} : memref<16xf32, #tpu.memory_space<vmem>>, vector<16xf32>,
    %swap3A_103 = vector.shape_cast %swap3A_102 : vector<16xf32> to vector<16xf32>
    %swap3A_104 = vector.shape_cast %add3A_101 : vector<16xf32> to vector<16xf32>
    tpu.vector_store %arg9[%swap3A], %swap3A_104 {strides = array<i32>} : memref<16xf32, #tpu.memory_space<vmem>>, vector<16xf32>,
    "tpu.region"() ({
      %run_scoped3A = tpu.sem_alloc : memref<!tpu.dma_semaphore, #tpu.memory_space<semaphore_mem>>
      %dma_start3A = arith.constant 0 : i32
      %dma_start3A_218 = tpu.memref_slice %arg5[%add3A_8, %dma_start3A] : memref<64x16xf32, #tpu.memory_space<hbm>> -> memref<1x16xf32, #tpu.memory_space<hbm>>
      %dma_start3A_219 = tpu.memref_squeeze %dma_start3A_218 : memref<1x16xf32, #tpu.memory_space<hbm>> -> memref<16xf32, #tpu.memory_space<hbm>>
      %dma_start3A_220 = arith.constant 0 : i32
      %dma_start3A_221 = tpu.memref_slice %arg5[%add3A_8, %dma_start3A_220] : memref<64x16xf32, #tpu.memory_space<hbm>> -> memref<1x16xf32, #tpu.memory_space<hbm>>
      %dma_start3A_222 = tpu.memref_squeeze %dma_start3A_221 : memref<1x16xf32, #tpu.memory_space<hbm>> -> memref<16xf32, #tpu.memory_space<hbm>>
      tpu.enqueue_dma source(%arg9 : memref<16xf32, #tpu.memory_space<vmem>>) target(%dma_start3A_222 : memref<16xf32, #tpu.memory_space<hbm>>) target_semaphore(%run_scoped3A : memref<!tpu.dma_semaphore, #tpu.memory_space<semaphore_mem>>)
      %dma_wait3A = arith.constant 0 : i32
      %dma_wait3A_223 = tpu.memref_slice %arg5[%add3A_8, %dma_wait3A] : memref<64x16xf32, #tpu.memory_space<hbm>> -> memref<1x16xf32, #tpu.memory_space<hbm>>
      %dma_wait3A_224 = tpu.memref_squeeze %dma_wait3A_223 : memref<1x16xf32, #tpu.memory_space<hbm>> -> memref<16xf32, #tpu.memory_space<hbm>>
      %dma_wait3A_225 = arith.constant 0 : i32
      %dma_wait3A_226 = tpu.memref_slice %arg5[%add3A_8, %dma_wait3A_225] : memref<64x16xf32, #tpu.memory_space<hbm>> -> memref<1x16xf32, #tpu.memory_space<hbm>>
      %dma_wait3A_227 = tpu.memref_squeeze %dma_wait3A_226 : memref<1x16xf32, #tpu.memory_space<hbm>> -> memref<16xf32, #tpu.memory_space<hbm>>
      tpu.wait_dma2 semaphore(%run_scoped3A : memref<!tpu.dma_semaphore, #tpu.memory_space<semaphore_mem>>) src(%arg9 : memref<16xf32, #tpu.memory_space<vmem>>) dst(%dma_wait3A_227 : memref<16xf32, #tpu.memory_space<hbm>>)
      tpu.yield
    }) : () -> ()
    %mul3A_105 = arith.constant 2 : i32
    %mul3A_106 = arith.muli %add3A, %mul3A_105 : i32
    %add3A_107 = arith.constant 1 : i32
    %add3A_108 = arith.addi %mul3A_106, %add3A_107 : i32
    "tpu.region"() ({
      %run_scoped3A = tpu.sem_alloc : memref<!tpu.dma_semaphore, #tpu.memory_space<semaphore_mem>>
      %dma_start3A = arith.constant 0 : i32
      %dma_start3A_218 = tpu.memref_slice %arg2[%add3A_108, %dma_start3A] : memref<64x34928xf32, #tpu.memory_space<hbm>> -> memref<1x34928xf32, #tpu.memory_space<hbm>>
      %dma_start3A_219 = tpu.memref_squeeze %dma_start3A_218 : memref<1x34928xf32, #tpu.memory_space<hbm>> -> memref<34928xf32, #tpu.memory_space<hbm>>
      %dma_start3A_220 = arith.constant 0 : i32
      %dma_start3A_221 = tpu.memref_slice %arg2[%add3A_108, %dma_start3A_220] : memref<64x34928xf32, #tpu.memory_space<hbm>> -> memref<1x34928xf32, #tpu.memory_space<hbm>>
      %dma_start3A_222 = tpu.memref_squeeze %dma_start3A_221 : memref<1x34928xf32, #tpu.memory_space<hbm>> -> memref<34928xf32, #tpu.memory_space<hbm>>
      tpu.enqueue_dma source(%dma_start3A_222 : memref<34928xf32, #tpu.memory_space<hbm>>) target(%arg6 : memref<34928xf32, #tpu.memory_space<vmem>>) target_semaphore(%run_scoped3A : memref<!tpu.dma_semaphore, #tpu.memory_space<semaphore_mem>>)
      %dma_wait3A = arith.constant 0 : i32
      %dma_wait3A_223 = tpu.memref_slice %arg2[%add3A_108, %dma_wait3A] : memref<64x34928xf32, #tpu.memory_space<hbm>> -> memref<1x34928xf32, #tpu.memory_space<hbm>>
      %dma_wait3A_224 = tpu.memref_squeeze %dma_wait3A_223 : memref<1x34928xf32, #tpu.memory_space<hbm>> -> memref<34928xf32, #tpu.memory_space<hbm>>
      %dma_wait3A_225 = arith.constant 0 : i32
      %dma_wait3A_226 = tpu.memref_slice %arg2[%add3A_108, %dma_wait3A_225] : memref<64x34928xf32, #tpu.memory_space<hbm>> -> memref<1x34928xf32, #tpu.memory_space<hbm>>
      %dma_wait3A_227 = tpu.memref_squeeze %dma_wait3A_226 : memref<1x34928xf32, #tpu.memory_space<hbm>> -> memref<34928xf32, #tpu.memory_space<hbm>>
      tpu.wait_dma2 semaphore(%run_scoped3A : memref<!tpu.dma_semaphore, #tpu.memory_space<semaphore_mem>>) src(%dma_wait3A_227 : memref<34928xf32, #tpu.memory_space<hbm>>) dst(%arg6 : memref<34928xf32, #tpu.memory_space<vmem>>)
      tpu.yield
    }) : () -> ()
    "tpu.region"() ({
      %run_scoped3A = tpu.sem_alloc : memref<!tpu.dma_semaphore, #tpu.memory_space<semaphore_mem>>
      %dma_start3A = arith.constant 0 : i32
      %dma_start3A_218 = tpu.memref_slice %arg3[%add3A_108, %dma_start3A] : memref<64x34928xf32, #tpu.memory_space<hbm>> -> memref<1x34928xf32, #tpu.memory_space<hbm>>
      %dma_start3A_219 = tpu.memref_squeeze %dma_start3A_218 : memref<1x34928xf32, #tpu.memory_space<hbm>> -> memref<34928xf32, #tpu.memory_space<hbm>>
      %dma_start3A_220 = arith.constant 0 : i32
      %dma_start3A_221 = tpu.memref_slice %arg3[%add3A_108, %dma_start3A_220] : memref<64x34928xf32, #tpu.memory_space<hbm>> -> memref<1x34928xf32, #tpu.memory_space<hbm>>
      %dma_start3A_222 = tpu.memref_squeeze %dma_start3A_221 : memref<1x34928xf32, #tpu.memory_space<hbm>> -> memref<34928xf32, #tpu.memory_space<hbm>>
      tpu.enqueue_dma source(%dma_start3A_222 : memref<34928xf32, #tpu.memory_space<hbm>>) target(%arg7 : memref<34928xf32, #tpu.memory_space<vmem>>) target_semaphore(%run_scoped3A : memref<!tpu.dma_semaphore, #tpu.memory_space<semaphore_mem>>)
      %dma_wait3A = arith.constant 0 : i32
      %dma_wait3A_223 = tpu.memref_slice %arg3[%add3A_108, %dma_wait3A] : memref<64x34928xf32, #tpu.memory_space<hbm>> -> memref<1x34928xf32, #tpu.memory_space<hbm>>
      %dma_wait3A_224 = tpu.memref_squeeze %dma_wait3A_223 : memref<1x34928xf32, #tpu.memory_space<hbm>> -> memref<34928xf32, #tpu.memory_space<hbm>>
      %dma_wait3A_225 = arith.constant 0 : i32
      %dma_wait3A_226 = tpu.memref_slice %arg3[%add3A_108, %dma_wait3A_225] : memref<64x34928xf32, #tpu.memory_space<hbm>> -> memref<1x34928xf32, #tpu.memory_space<hbm>>
      %dma_wait3A_227 = tpu.memref_squeeze %dma_wait3A_226 : memref<1x34928xf32, #tpu.memory_space<hbm>> -> memref<34928xf32, #tpu.memory_space<hbm>>
      tpu.wait_dma2 semaphore(%run_scoped3A : memref<!tpu.dma_semaphore, #tpu.memory_space<semaphore_mem>>) src(%dma_wait3A_227 : memref<34928xf32, #tpu.memory_space<hbm>>) dst(%arg7 : memref<34928xf32, #tpu.memory_space<vmem>>)
      tpu.yield
    }) : () -> ()
    %broadcast_in_dim3A_109 = arith.constant 0.000000e+00 : f32
    %broadcast_in_dim3A_110 = vector.broadcast %broadcast_in_dim3A_109 : f32 to vector<16xf32>
    %scan3A_111 = arith.constant 0 : i32
    %scan3A_112 = arith.constant 545 : i32
    %scan3A_113 = arith.addi %scan3A_111, %scan3A_112 : i32
    %scan3A_114 = arith.constant 1 : i32
    %scan3A_115 = scf.for %scan3A_218 = %scan3A_111 to %scan3A_113 step %scan3A_114 iter_args(%scan3A_219 = %broadcast_in_dim3A_110) -> (vector<16xf32>)  : i32 {
      %mul3A_220 = arith.constant 16 : i32
      %mul3A_221 = arith.muli %scan3A_218, %mul3A_220 : i32
      %add3A_222 = arith.constant 8732 : i32
      %add3A_223 = arith.addi %add3A_222, %mul3A_221 : i32
      %get3A_224 = arith.index_cast %add3A_223 : i32 to index
      %get3A_225 = tpu.vector_load %arg8[%get3A_224] {strides = array<i32>} : memref<17464xi32, #tpu.memory_space<vmem>>, vector<16xi32>,
      %get3A_226 = vector.shape_cast %get3A_225 : vector<16xi32> to vector<16xi32>
      %gt3A_227 = arith.constant 0 : i32
      %gt3A_228 = vector.broadcast %gt3A_227 : i32 to vector<16xi32>
      %gt3A_229 = arith.cmpi sgt, %get3A_226, %gt3A_228 : vector<16xi32>
      %broadcast_in_dim3A_230 = arith.constant 0.000000e+00 : f32
      %broadcast_in_dim3A_231 = vector.broadcast %broadcast_in_dim3A_230 : f32 to vector<16xf32>
      %add3A_232 = arith.constant 0 : i32
      %add3A_233 = arith.addi %add3A_232, %mul3A_221 : i32
      %get3A_234 = arith.index_cast %add3A_233 : i32 to index
      %get3A_235 = tpu.vector_load %arg6[%get3A_234] {strides = array<i32>} : memref<34928xf32, #tpu.memory_space<vmem>>, vector<16xf32>,
      %get3A_236 = vector.shape_cast %get3A_235 : vector<16xf32> to vector<16xf32>
      %add3A_237 = arith.constant 0 : i32
      %add3A_238 = arith.addi %add3A_237, %mul3A_221 : i32
      %get3A_239 = arith.index_cast %add3A_238 : i32 to index
      %get3A_240 = tpu.vector_load %arg7[%get3A_239] {strides = array<i32>} : memref<34928xf32, #tpu.memory_space<vmem>>, vector<16xf32>,
      %get3A_241 = vector.shape_cast %get3A_240 : vector<16xf32> to vector<16xf32>
      %sub3A_242 = arith.subf %get3A_236, %get3A_241 : vector<16xf32>
      %abs3A_243 = math.absf %sub3A_242 : vector<16xf32>
      %lt3A_244 = arith.constant 1.000000e+00 : f32
      %lt3A_245 = vector.broadcast %lt3A_244 : f32 to vector<16xf32>
      %lt3A_246 = arith.cmpf olt, %abs3A_243, %lt3A_245 : vector<16xf32>
      %mul3A_247 = arith.constant 5.000000e-01 : f32
      %mul3A_248 = vector.broadcast %mul3A_247 : f32 to vector<16xf32>
      %mul3A_249 = arith.mulf %mul3A_248, %sub3A_242 : vector<16xf32>
      %mul3A_250 = arith.mulf %mul3A_249, %sub3A_242 : vector<16xf32>
      %sub3A_251 = arith.constant 5.000000e-01 : f32
      %sub3A_252 = vector.broadcast %sub3A_251 : f32 to vector<16xf32>
      %sub3A_253 = arith.subf %abs3A_243, %sub3A_252 : vector<16xf32>
      %select_n3A_254 = arith.select %lt3A_246, %mul3A_250, %sub3A_253 : vector<16xi1>, vector<16xf32>
      %add3A_255 = arith.addf %broadcast_in_dim3A_231, %select_n3A_254 : vector<16xf32>
      %add3A_256 = arith.constant 8732 : i32
      %add3A_257 = arith.addi %add3A_256, %mul3A_221 : i32
      %get3A_258 = arith.index_cast %add3A_257 : i32 to index
      %get3A_259 = tpu.vector_load %arg6[%get3A_258] {strides = array<i32>} : memref<34928xf32, #tpu.memory_space<vmem>>, vector<16xf32>,
      %get3A_260 = vector.shape_cast %get3A_259 : vector<16xf32> to vector<16xf32>
      %add3A_261 = arith.constant 8732 : i32
      %add3A_262 = arith.addi %add3A_261, %mul3A_221 : i32
      %get3A_263 = arith.index_cast %add3A_262 : i32 to index
      %get3A_264 = tpu.vector_load %arg7[%get3A_263] {strides = array<i32>} : memref<34928xf32, #tpu.memory_space<vmem>>, vector<16xf32>,
      %get3A_265 = vector.shape_cast %get3A_264 : vector<16xf32> to vector<16xf32>
      %sub3A_266 = arith.subf %get3A_260, %get3A_265 : vector<16xf32>
      %abs3A_267 = math.absf %sub3A_266 : vector<16xf32>
      %lt3A_268 = arith.constant 1.000000e+00 : f32
      %lt3A_269 = vector.broadcast %lt3A_268 : f32 to vector<16xf32>
      %lt3A_270 = arith.cmpf olt, %abs3A_267, %lt3A_269 : vector<16xf32>
      %mul3A_271 = arith.constant 5.000000e-01 : f32
      %mul3A_272 = vector.broadcast %mul3A_271 : f32 to vector<16xf32>
      %mul3A_273 = arith.mulf %mul3A_272, %sub3A_266 : vector<16xf32>
      %mul3A_274 = arith.mulf %mul3A_273, %sub3A_266 : vector<16xf32>
      %sub3A_275 = arith.constant 5.000000e-01 : f32
      %sub3A_276 = vector.broadcast %sub3A_275 : f32 to vector<16xf32>
      %sub3A_277 = arith.subf %abs3A_267, %sub3A_276 : vector<16xf32>
      %select_n3A_278 = arith.select %lt3A_270, %mul3A_274, %sub3A_277 : vector<16xi1>, vector<16xf32>
      %add3A_279 = arith.addf %add3A_255, %select_n3A_278 : vector<16xf32>
      %add3A_280 = arith.constant 17464 : i32
      %add3A_281 = arith.addi %add3A_280, %mul3A_221 : i32
      %get3A_282 = arith.index_cast %add3A_281 : i32 to index
      %get3A_283 = tpu.vector_load %arg6[%get3A_282] {strides = array<i32>} : memref<34928xf32, #tpu.memory_space<vmem>>, vector<16xf32>,
      %get3A_284 = vector.shape_cast %get3A_283 : vector<16xf32> to vector<16xf32>
      %add3A_285 = arith.constant 17464 : i32
      %add3A_286 = arith.addi %add3A_285, %mul3A_221 : i32
      %get3A_287 = arith.index_cast %add3A_286 : i32 to index
      %get3A_288 = tpu.vector_load %arg7[%get3A_287] {strides = array<i32>} : memref<34928xf32, #tpu.memory_space<vmem>>, vector<16xf32>,
      %get3A_289 = vector.shape_cast %get3A_288 : vector<16xf32> to vector<16xf32>
      %sub3A_290 = arith.subf %get3A_284, %get3A_289 : vector<16xf32>
      %abs3A_291 = math.absf %sub3A_290 : vector<16xf32>
      %lt3A_292 = arith.constant 1.000000e+00 : f32
      %lt3A_293 = vector.broadcast %lt3A_292 : f32 to vector<16xf32>
      %lt3A_294 = arith.cmpf olt, %abs3A_291, %lt3A_293 : vector<16xf32>
      %mul3A_295 = arith.constant 5.000000e-01 : f32
      %mul3A_296 = vector.broadcast %mul3A_295 : f32 to vector<16xf32>
      %mul3A_297 = arith.mulf %mul3A_296, %sub3A_290 : vector<16xf32>
      %mul3A_298 = arith.mulf %mul3A_297, %sub3A_290 : vector<16xf32>
      %sub3A_299 = arith.constant 5.000000e-01 : f32
      %sub3A_300 = vector.broadcast %sub3A_299 : f32 to vector<16xf32>
      %sub3A_301 = arith.subf %abs3A_291, %sub3A_300 : vector<16xf32>
      %select_n3A_302 = arith.select %lt3A_294, %mul3A_298, %sub3A_301 : vector<16xi1>, vector<16xf32>
      %add3A_303 = arith.addf %add3A_279, %select_n3A_302 : vector<16xf32>
      %add3A_304 = arith.constant 26196 : i32
      %add3A_305 = arith.addi %add3A_304, %mul3A_221 : i32
      %get3A_306 = arith.index_cast %add3A_305 : i32 to index
      %get3A_307 = tpu.vector_load %arg6[%get3A_306] {strides = array<i32>} : memref<34928xf32, #tpu.memory_space<vmem>>, vector<16xf32>,
      %get3A_308 = vector.shape_cast %get3A_307 : vector<16xf32> to vector<16xf32>
      %add3A_309 = arith.constant 26196 : i32
      %add3A_310 = arith.addi %add3A_309, %mul3A_221 : i32
      %get3A_311 = arith.index_cast %add3A_310 : i32 to index
      %get3A_312 = tpu.vector_load %arg7[%get3A_311] {strides = array<i32>} : memref<34928xf32, #tpu.memory_space<vmem>>, vector<16xf32>,
      %get3A_313 = vector.shape_cast %get3A_312 : vector<16xf32> to vector<16xf32>
      %sub3A_314 = arith.subf %get3A_308, %get3A_313 : vector<16xf32>
      %abs3A_315 = math.absf %sub3A_314 : vector<16xf32>
      %lt3A_316 = arith.constant 1.000000e+00 : f32
      %lt3A_317 = vector.broadcast %lt3A_316 : f32 to vector<16xf32>
      %lt3A_318 = arith.cmpf olt, %abs3A_315, %lt3A_317 : vector<16xf32>
      %mul3A_319 = arith.constant 5.000000e-01 : f32
      %mul3A_320 = vector.broadcast %mul3A_319 : f32 to vector<16xf32>
      %mul3A_321 = arith.mulf %mul3A_320, %sub3A_314 : vector<16xf32>
      %mul3A_322 = arith.mulf %mul3A_321, %sub3A_314 : vector<16xf32>
      %sub3A_323 = arith.constant 5.000000e-01 : f32
      %sub3A_324 = vector.broadcast %sub3A_323 : f32 to vector<16xf32>
      %sub3A_325 = arith.subf %abs3A_315, %sub3A_324 : vector<16xf32>
      %select_n3A_326 = arith.select %lt3A_318, %mul3A_322, %sub3A_325 : vector<16xi1>, vector<16xf32>
      %add3A_327 = arith.addf %add3A_303, %select_n3A_326 : vector<16xf32>
      %jit3A_328 = arith.constant 0.000000e+00 : f32
      %broadcast_in_dim3A_329 = vector.broadcast %jit3A_328 : f32 to vector<16xf32>
      %select_n3A_330 = arith.select %gt3A_229, %add3A_327, %broadcast_in_dim3A_329 : vector<16xi1>, vector<16xf32>
      %add3A_331 = arith.addf %scan3A_219, %select_n3A_330 : vector<16xf32>
      scf.yield %add3A_331 : vector<16xf32>
    }
    %scan3A_116 = arith.constant 545 : i32
    %iota3A_117 = tpu.iota {dimensions = array<i32: 0>} : vector<16xi32>
    %get3A_118 = arith.constant 17448 : index
    %get3A_119 = tpu.vector_load %arg8[%get3A_118] {strides = array<i32>} : memref<17464xi32, #tpu.memory_space<vmem>>, vector<16xi32>,
    %get3A_120 = vector.shape_cast %get3A_119 : vector<16xi32> to vector<16xi32>
    %gt3A_121 = arith.constant 0 : i32
    %gt3A_122 = vector.broadcast %gt3A_121 : i32 to vector<16xi32>
    %gt3A_123 = arith.cmpi sgt, %get3A_120, %gt3A_122 : vector<16xi32>
    %ge3A_124 = arith.constant 4 : i32
    %ge3A_125 = vector.broadcast %ge3A_124 : i32 to vector<16xi32>
    %ge3A_126 = arith.cmpi sge, %iota3A_117, %ge3A_125 : vector<16xi32>
    %and3A_127 = arith.andi %gt3A_123, %ge3A_126 : vector<16xi1>
    %broadcast_in_dim3A_128 = arith.constant 0.000000e+00 : f32
    %broadcast_in_dim3A_129 = vector.broadcast %broadcast_in_dim3A_128 : f32 to vector<16xf32>
    %get3A_130 = arith.constant 8716 : index
    %get3A_131 = tpu.vector_load %arg6[%get3A_130] {strides = array<i32>} : memref<34928xf32, #tpu.memory_space<vmem>>, vector<16xf32>,
    %get3A_132 = vector.shape_cast %get3A_131 : vector<16xf32> to vector<16xf32>
    %get3A_133 = arith.constant 8716 : index
    %get3A_134 = tpu.vector_load %arg7[%get3A_133] {strides = array<i32>} : memref<34928xf32, #tpu.memory_space<vmem>>, vector<16xf32>,
    %get3A_135 = vector.shape_cast %get3A_134 : vector<16xf32> to vector<16xf32>
    %sub3A_136 = arith.subf %get3A_132, %get3A_135 : vector<16xf32>
    %abs3A_137 = math.absf %sub3A_136 : vector<16xf32>
    %lt3A_138 = arith.constant 1.000000e+00 : f32
    %lt3A_139 = vector.broadcast %lt3A_138 : f32 to vector<16xf32>
    %lt3A_140 = arith.cmpf olt, %abs3A_137, %lt3A_139 : vector<16xf32>
    %mul3A_141 = arith.constant 5.000000e-01 : f32
    %mul3A_142 = vector.broadcast %mul3A_141 : f32 to vector<16xf32>
    %mul3A_143 = arith.mulf %mul3A_142, %sub3A_136 : vector<16xf32>
    %mul3A_144 = arith.mulf %mul3A_143, %sub3A_136 : vector<16xf32>
    %sub3A_145 = arith.constant 5.000000e-01 : f32
    %sub3A_146 = vector.broadcast %sub3A_145 : f32 to vector<16xf32>
    %sub3A_147 = arith.subf %abs3A_137, %sub3A_146 : vector<16xf32>
    %select_n3A_148 = arith.select %lt3A_140, %mul3A_144, %sub3A_147 : vector<16xi1>, vector<16xf32>
    %add3A_149 = arith.addf %broadcast_in_dim3A_129, %select_n3A_148 : vector<16xf32>
    %get3A_150 = arith.constant 17448 : index
    %get3A_151 = tpu.vector_load %arg6[%get3A_150] {strides = array<i32>} : memref<34928xf32, #tpu.memory_space<vmem>>, vector<16xf32>,
    %get3A_152 = vector.shape_cast %get3A_151 : vector<16xf32> to vector<16xf32>
    %get3A_153 = arith.constant 17448 : index
    %get3A_154 = tpu.vector_load %arg7[%get3A_153] {strides = array<i32>} : memref<34928xf32, #tpu.memory_space<vmem>>, vector<16xf32>,
    %get3A_155 = vector.shape_cast %get3A_154 : vector<16xf32> to vector<16xf32>
    %sub3A_156 = arith.subf %get3A_152, %get3A_155 : vector<16xf32>
    %abs3A_157 = math.absf %sub3A_156 : vector<16xf32>
    %lt3A_158 = arith.constant 1.000000e+00 : f32
    %lt3A_159 = vector.broadcast %lt3A_158 : f32 to vector<16xf32>
    %lt3A_160 = arith.cmpf olt, %abs3A_157, %lt3A_159 : vector<16xf32>
    %mul3A_161 = arith.constant 5.000000e-01 : f32
    %mul3A_162 = vector.broadcast %mul3A_161 : f32 to vector<16xf32>
    %mul3A_163 = arith.mulf %mul3A_162, %sub3A_156 : vector<16xf32>
    %mul3A_164 = arith.mulf %mul3A_163, %sub3A_156 : vector<16xf32>
    %sub3A_165 = arith.constant 5.000000e-01 : f32
    %sub3A_166 = vector.broadcast %sub3A_165 : f32 to vector<16xf32>
    %sub3A_167 = arith.subf %abs3A_157, %sub3A_166 : vector<16xf32>
    %select_n3A_168 = arith.select %lt3A_160, %mul3A_164, %sub3A_167 : vector<16xi1>, vector<16xf32>
    %add3A_169 = arith.addf %add3A_149, %select_n3A_168 : vector<16xf32>
    %get3A_170 = arith.constant 26180 : index
    %get3A_171 = tpu.vector_load %arg6[%get3A_170] {strides = array<i32>} : memref<34928xf32, #tpu.memory_space<vmem>>, vector<16xf32>,
    %get3A_172 = vector.shape_cast %get3A_171 : vector<16xf32> to vector<16xf32>
    %get3A_173 = arith.constant 26180 : index
    %get3A_174 = tpu.vector_load %arg7[%get3A_173] {strides = array<i32>} : memref<34928xf32, #tpu.memory_space<vmem>>, vector<16xf32>,
    %get3A_175 = vector.shape_cast %get3A_174 : vector<16xf32> to vector<16xf32>
    %sub3A_176 = arith.subf %get3A_172, %get3A_175 : vector<16xf32>
    %abs3A_177 = math.absf %sub3A_176 : vector<16xf32>
    %lt3A_178 = arith.constant 1.000000e+00 : f32
    %lt3A_179 = vector.broadcast %lt3A_178 : f32 to vector<16xf32>
    %lt3A_180 = arith.cmpf olt, %abs3A_177, %lt3A_179 : vector<16xf32>
    %mul3A_181 = arith.constant 5.000000e-01 : f32
    %mul3A_182 = vector.broadcast %mul3A_181 : f32 to vector<16xf32>
    %mul3A_183 = arith.mulf %mul3A_182, %sub3A_176 : vector<16xf32>
    %mul3A_184 = arith.mulf %mul3A_183, %sub3A_176 : vector<16xf32>
    %sub3A_185 = arith.constant 5.000000e-01 : f32
    %sub3A_186 = vector.broadcast %sub3A_185 : f32 to vector<16xf32>
    %sub3A_187 = arith.subf %abs3A_177, %sub3A_186 : vector<16xf32>
    %select_n3A_188 = arith.select %lt3A_180, %mul3A_184, %sub3A_187 : vector<16xi1>, vector<16xf32>
    %add3A_189 = arith.addf %add3A_169, %select_n3A_188 : vector<16xf32>
    %get3A_190 = arith.constant 34912 : index
    %get3A_191 = tpu.vector_load %arg6[%get3A_190] {strides = array<i32>} : memref<34928xf32, #tpu.memory_space<vmem>>, vector<16xf32>,
    %get3A_192 = vector.shape_cast %get3A_191 : vector<16xf32> to vector<16xf32>
    %get3A_193 = arith.constant 34912 : index
    %get3A_194 = tpu.vector_load %arg7[%get3A_193] {strides = array<i32>} : memref<34928xf32, #tpu.memory_space<vmem>>, vector<16xf32>,
    %get3A_195 = vector.shape_cast %get3A_194 : vector<16xf32> to vector<16xf32>
    %sub3A_196 = arith.subf %get3A_192, %get3A_195 : vector<16xf32>
    %abs3A_197 = math.absf %sub3A_196 : vector<16xf32>
    %lt3A_198 = arith.constant 1.000000e+00 : f32
    %lt3A_199 = vector.broadcast %lt3A_198 : f32 to vector<16xf32>
    %lt3A_200 = arith.cmpf olt, %abs3A_197, %lt3A_199 : vector<16xf32>
    %mul3A_201 = arith.constant 5.000000e-01 : f32
    %mul3A_202 = vector.broadcast %mul3A_201 : f32 to vector<16xf32>
    %mul3A_203 = arith.mulf %mul3A_202, %sub3A_196 : vector<16xf32>
    %mul3A_204 = arith.mulf %mul3A_203, %sub3A_196 : vector<16xf32>
    %sub3A_205 = arith.constant 5.000000e-01 : f32
    %sub3A_206 = vector.broadcast %sub3A_205 : f32 to vector<16xf32>
    %sub3A_207 = arith.subf %abs3A_197, %sub3A_206 : vector<16xf32>
    %select_n3A_208 = arith.select %lt3A_200, %mul3A_204, %sub3A_207 : vector<16xi1>, vector<16xf32>
    %add3A_209 = arith.addf %add3A_189, %select_n3A_208 : vector<16xf32>
    %jit3A_210 = arith.constant 0.000000e+00 : f32
    %broadcast_in_dim3A_211 = vector.broadcast %jit3A_210 : f32 to vector<16xf32>
    %select_n3A_212 = arith.select %and3A_127, %add3A_209, %broadcast_in_dim3A_211 : vector<16xi1>, vector<16xf32>
    %add3A_213 = arith.addf %scan3A_115, %select_n3A_212 : vector<16xf32>
    %swap3A_214 = arith.constant 0 : index
    %swap3A_215 = tpu.vector_load %arg9[%swap3A_214] {strides = array<i32>} : memref<16xf32, #tpu.memory_space<vmem>>, vector<16xf32>,
    %swap3A_216 = vector.shape_cast %swap3A_215 : vector<16xf32> to vector<16xf32>
    %swap3A_217 = vector.shape_cast %add3A_213 : vector<16xf32> to vector<16xf32>
    tpu.vector_store %arg9[%swap3A_214], %swap3A_217 {strides = array<i32>} : memref<16xf32, #tpu.memory_space<vmem>>, vector<16xf32>,
    "tpu.region"() ({
      %run_scoped3A = tpu.sem_alloc : memref<!tpu.dma_semaphore, #tpu.memory_space<semaphore_mem>>
      %dma_start3A = arith.constant 0 : i32
      %dma_start3A_218 = tpu.memref_slice %arg5[%add3A_108, %dma_start3A] : memref<64x16xf32, #tpu.memory_space<hbm>> -> memref<1x16xf32, #tpu.memory_space<hbm>>
      %dma_start3A_219 = tpu.memref_squeeze %dma_start3A_218 : memref<1x16xf32, #tpu.memory_space<hbm>> -> memref<16xf32, #tpu.memory_space<hbm>>
      %dma_start3A_220 = arith.constant 0 : i32
      %dma_start3A_221 = tpu.memref_slice %arg5[%add3A_108, %dma_start3A_220] : memref<64x16xf32, #tpu.memory_space<hbm>> -> memref<1x16xf32, #tpu.memory_space<hbm>>
      %dma_start3A_222 = tpu.memref_squeeze %dma_start3A_221 : memref<1x16xf32, #tpu.memory_space<hbm>> -> memref<16xf32, #tpu.memory_space<hbm>>
      tpu.enqueue_dma source(%arg9 : memref<16xf32, #tpu.memory_space<vmem>>) target(%dma_start3A_222 : memref<16xf32, #tpu.memory_space<hbm>>) target_semaphore(%run_scoped3A : memref<!tpu.dma_semaphore, #tpu.memory_space<semaphore_mem>>)
      %dma_wait3A = arith.constant 0 : i32
      %dma_wait3A_223 = tpu.memref_slice %arg5[%add3A_108, %dma_wait3A] : memref<64x16xf32, #tpu.memory_space<hbm>> -> memref<1x16xf32, #tpu.memory_space<hbm>>
      %dma_wait3A_224 = tpu.memref_squeeze %dma_wait3A_223 : memref<1x16xf32, #tpu.memory_space<hbm>> -> memref<16xf32, #tpu.memory_space<hbm>>
      %dma_wait3A_225 = arith.constant 0 : i32
      %dma_wait3A_226 = tpu.memref_slice %arg5[%add3A_108, %dma_wait3A_225] : memref<64x16xf32, #tpu.memory_space<hbm>> -> memref<1x16xf32, #tpu.memory_space<hbm>>
      %dma_wait3A_227 = tpu.memref_squeeze %dma_wait3A_226 : memref<1x16xf32, #tpu.memory_space<hbm>> -> memref<16xf32, #tpu.memory_space<hbm>>
      tpu.wait_dma2 semaphore(%run_scoped3A : memref<!tpu.dma_semaphore, #tpu.memory_space<semaphore_mem>>) src(%arg9 : memref<16xf32, #tpu.memory_space<vmem>>) dst(%dma_wait3A_227 : memref<16xf32, #tpu.memory_space<hbm>>)
      tpu.yield
    }) : () -> ()
    return
  }
}

module attributes {stable_mosaic.version = 14 : i64} {
  func.func @_tc_main(%arg0: i32, %arg1: memref<2x81x8732xf32, #tpu.memory_space<vmem>>, %arg2: memref<64x8732xi32, #tpu.memory_space<vmem>>, %arg3: memref<64x128xf32, #tpu.memory_space<vmem>>, %arg4: memref<64x128xf32, #tpu.memory_space<vmem>>, %arg5: memref<64x8732xf32, #tpu.memory_space<vmem>>, %arg6: memref<64x128xf32, #tpu.memory_space<vmem>>, %arg7: memref<64x128xf32, #tpu.memory_space<vmem>>, %arg8: memref<64x128xf32, #tpu.memory_space<vmem>>) attributes {dimension_semantics = [#tpu.dimension_semantics<arbitrary>], iteration_bounds = array<i64: 32>, scalar_prefetch = 0 : i64, scratch_operands = 4 : i64, tpu.core_type = #tpu.core_type<tc>, window_params = [{transform_indices = @transform_0, window_bounds = array<i64: 2, 81, 8732>}, {pipeline_mode = #tpu.pipeline_mode<synchronous>, transform_indices = @transform_1, window_bounds = array<i64: 64, 8732>}, {pipeline_mode = #tpu.pipeline_mode<synchronous>, transform_indices = @transform_2, window_bounds = array<i64: 64, 128>}, {pipeline_mode = #tpu.pipeline_mode<synchronous>, transform_indices = @transform_3, window_bounds = array<i64: 64, 128>}]} {
    %mul3A = arith.constant 2 : i32
    %mul3A_0 = arith.muli %mul3A, %arg0 : i32
    %add3A = arith.constant 0 : i32
    %add3A_1 = arith.addi %mul3A_0, %add3A : i32
    %get3A = arith.constant 0 : index
    %get3A_2 = arith.constant 0 : index
    %get3A_3 = arith.constant 0 : index
    %get3A_4 = vector.load %arg1[%get3A, %get3A_2, %get3A_3] : memref<2x81x8732xf32, #tpu.memory_space<vmem>>, vector<1x81x8732xf32>
    %get3A_5 = vector.shape_cast %get3A_4 : vector<1x81x8732xf32> to vector<81x8732xf32>
    %get3A_6 = arith.index_cast %add3A_1 : i32 to index
    %get3A_7 = arith.constant 0 : index
    %get3A_8 = vector.load %arg2[%get3A_6, %get3A_7] : memref<64x8732xi32, #tpu.memory_space<vmem>>, vector<1x8732xi32>
    %reduce_max3A = arith.constant dense<0xFF800000> : vector<8732xf32>
    %reduce_max3A_9 = vector.multi_reduction <maximumf>, %get3A_5, %reduce_max3A [0] : vector<81x8732xf32> to vector<8732xf32>
    %broadcast_in_dim3A = vector.shape_cast %reduce_max3A_9 : vector<8732xf32> to vector<1x8732xf32>
    %sub3A = vector.broadcast %broadcast_in_dim3A : vector<1x8732xf32> to vector<81x8732xf32>
    %sub3A_10 = arith.subf %get3A_5, %sub3A : vector<81x8732xf32>
    %exp3A = math.exp %sub3A_10 : vector<81x8732xf32>
    %reduce_sum3A = arith.constant dense<0.000000e+00> : vector<8732xf32>
    %reduce_sum3A_11 = vector.multi_reduction <add>, %exp3A, %reduce_sum3A [0] : vector<81x8732xf32> to vector<8732xf32>
    %broadcast_in_dim3A_12 = vector.shape_cast %reduce_sum3A_11 : vector<8732xf32> to vector<1x8732xf32>
    %iota3A = tpu.iota {dimensions = array<i32: 0>} : vector<81x8732xi32>
    %eq3A = vector.broadcast %get3A_8 : vector<1x8732xi32> to vector<81x8732xi32>
    %eq3A_13 = arith.cmpi eq, %iota3A, %eq3A : vector<81x8732xi32>
    %jit3A = arith.constant 0.000000e+00 : f32
    %broadcast_in_dim3A_14 = vector.broadcast %jit3A : f32 to vector<81x8732xf32>
    %select_n3A = arith.select %eq3A_13, %get3A_5, %broadcast_in_dim3A_14 : vector<81x8732xi1>, vector<81x8732xf32>
    %reduce_sum3A_15 = arith.constant dense<0.000000e+00> : vector<8732xf32>
    %reduce_sum3A_16 = vector.multi_reduction <add>, %select_n3A, %reduce_sum3A_15 [0] : vector<81x8732xf32> to vector<8732xf32>
    %broadcast_in_dim3A_17 = vector.shape_cast %reduce_sum3A_16 : vector<8732xf32> to vector<1x8732xf32>
    %log3A = math.log %broadcast_in_dim3A_12 : vector<1x8732xf32>
    %add3A_18 = arith.addf %broadcast_in_dim3A, %log3A : vector<1x8732xf32>
    %sub3A_19 = arith.subf %add3A_18, %broadcast_in_dim3A_17 : vector<1x8732xf32>
    %gt3A = arith.constant 0 : i32
    %gt3A_20 = vector.broadcast %gt3A : i32 to vector<1x8732xi32>
    %gt3A_21 = arith.cmpi sgt, %get3A_8, %gt3A_20 : vector<1x8732xi32>
    %convert_element_type3A = arith.extui %gt3A_21 : vector<1x8732xi1> to vector<1x8732xi32>
    %convert_element_type3A_22 = arith.sitofp %convert_element_type3A : vector<1x8732xi32> to vector<1x8732xf32>
    %max3A = arith.constant 0.000000e+00 : f32
    %max3A_23 = vector.broadcast %max3A : f32 to vector<1x8732xf32>
    %max3A_24 = arith.maximumf %sub3A_19, %max3A_23 : vector<1x8732xf32>
    %jit3A_25 = arith.constant 0.000000e+00 : f32
    %broadcast_in_dim3A_26 = vector.broadcast %jit3A_25 : f32 to vector<1x8732xf32>
    %select_n3A_27 = arith.select %gt3A_21, %broadcast_in_dim3A_26, %max3A_24 : vector<1x8732xi1>, vector<1x8732xf32>
    %swap3A = arith.index_cast %add3A_1 : i32 to index
    %swap3A_28 = arith.constant 0 : index
    %swap3A_29 = vector.load %arg5[%swap3A, %swap3A_28] : memref<64x8732xf32, #tpu.memory_space<vmem>>, vector<1x8732xf32>
    tpu.vector_store %arg5[%swap3A, %swap3A_28], %select_n3A_27 {strides = array<i32>} : memref<64x8732xf32, #tpu.memory_space<vmem>>, vector<1x8732xf32>,
    %mul3A_30 = arith.mulf %sub3A_19, %convert_element_type3A_22 : vector<1x8732xf32>
    %reduce_sum3A_31 = vector.shape_cast %mul3A_30 : vector<1x8732xf32> to vector<1x1x8732xf32>
    %reduce_sum3A_32 = arith.constant dense<0.000000e+00> : vector<1xf32>
    %reduce_sum3A_33 = vector.multi_reduction <add>, %reduce_sum3A_31, %reduce_sum3A_32 [1, 2] : vector<1x1x8732xf32> to vector<1xf32>
    %reduce_sum3A_34 = vector.shape_cast %reduce_sum3A_33 : vector<1xf32> to vector<1x1x1xf32>
    %reduce_sum3A_35 = vector.extract %reduce_sum3A_34[0, 0, 0] : f32 from vector<1x1x1xf32>
    %broadcast_in_dim3A_36 = vector.broadcast %reduce_sum3A_35 : f32 to vector<1x128xf32>
    %swap3A_37 = arith.index_cast %add3A_1 : i32 to index
    %swap3A_38 = arith.constant 0 : index
    %swap3A_39 = vector.load %arg6[%swap3A_37, %swap3A_38] : memref<64x128xf32, #tpu.memory_space<vmem>>, vector<1x128xf32>
    tpu.vector_store %arg6[%swap3A_37, %swap3A_38], %broadcast_in_dim3A_36 {strides = array<i32>} : memref<64x128xf32, #tpu.memory_space<vmem>>, vector<1x128xf32>,
    %reduce_sum3A_40 = vector.shape_cast %convert_element_type3A_22 : vector<1x8732xf32> to vector<1x1x8732xf32>
    %reduce_sum3A_41 = arith.constant dense<0.000000e+00> : vector<1xf32>
    %reduce_sum3A_42 = vector.multi_reduction <add>, %reduce_sum3A_40, %reduce_sum3A_41 [1, 2] : vector<1x1x8732xf32> to vector<1xf32>
    %reduce_sum3A_43 = vector.shape_cast %reduce_sum3A_42 : vector<1xf32> to vector<1x1x1xf32>
    %reduce_sum3A_44 = vector.extract %reduce_sum3A_43[0, 0, 0] : f32 from vector<1x1x1xf32>
    %broadcast_in_dim3A_45 = vector.broadcast %reduce_sum3A_44 : f32 to vector<1x128xf32>
    %swap3A_46 = arith.index_cast %add3A_1 : i32 to index
    %swap3A_47 = arith.constant 0 : index
    %swap3A_48 = vector.load %arg7[%swap3A_46, %swap3A_47] : memref<64x128xf32, #tpu.memory_space<vmem>>, vector<1x128xf32>
    tpu.vector_store %arg7[%swap3A_46, %swap3A_47], %broadcast_in_dim3A_45 {strides = array<i32>} : memref<64x128xf32, #tpu.memory_space<vmem>>, vector<1x128xf32>,
    %reduce_sum3A_49 = vector.shape_cast %select_n3A_27 : vector<1x8732xf32> to vector<1x1x8732xf32>
    %reduce_sum3A_50 = arith.constant dense<0.000000e+00> : vector<1xf32>
    %reduce_sum3A_51 = vector.multi_reduction <add>, %reduce_sum3A_49, %reduce_sum3A_50 [1, 2] : vector<1x1x8732xf32> to vector<1xf32>
    %reduce_sum3A_52 = vector.shape_cast %reduce_sum3A_51 : vector<1xf32> to vector<1x1x1xf32>
    %reduce_sum3A_53 = vector.extract %reduce_sum3A_52[0, 0, 0] : f32 from vector<1x1x1xf32>
    %broadcast_in_dim3A_54 = vector.broadcast %reduce_sum3A_53 : f32 to vector<1x128xf32>
    %swap3A_55 = arith.index_cast %add3A_1 : i32 to index
    %swap3A_56 = arith.constant 0 : index
    %swap3A_57 = vector.load %arg8[%swap3A_55, %swap3A_56] : memref<64x128xf32, #tpu.memory_space<vmem>>, vector<1x128xf32>
    tpu.vector_store %arg8[%swap3A_55, %swap3A_56], %broadcast_in_dim3A_54 {strides = array<i32>} : memref<64x128xf32, #tpu.memory_space<vmem>>, vector<1x128xf32>,
    %mul3A_58 = arith.constant 2 : i32
    %mul3A_59 = arith.muli %mul3A_58, %arg0 : i32
    %add3A_60 = arith.constant 1 : i32
    %add3A_61 = arith.addi %mul3A_59, %add3A_60 : i32
    %get3A_62 = arith.constant 1 : index
    %get3A_63 = arith.constant 0 : index
    %get3A_64 = arith.constant 0 : index
    %get3A_65 = vector.load %arg1[%get3A_62, %get3A_63, %get3A_64] : memref<2x81x8732xf32, #tpu.memory_space<vmem>>, vector<1x81x8732xf32>
    %get3A_66 = vector.shape_cast %get3A_65 : vector<1x81x8732xf32> to vector<81x8732xf32>
    %get3A_67 = arith.index_cast %add3A_61 : i32 to index
    %get3A_68 = arith.constant 0 : index
    %get3A_69 = vector.load %arg2[%get3A_67, %get3A_68] : memref<64x8732xi32, #tpu.memory_space<vmem>>, vector<1x8732xi32>
    %reduce_max3A_70 = arith.constant dense<0xFF800000> : vector<8732xf32>
    %reduce_max3A_71 = vector.multi_reduction <maximumf>, %get3A_66, %reduce_max3A_70 [0] : vector<81x8732xf32> to vector<8732xf32>
    %broadcast_in_dim3A_72 = vector.shape_cast %reduce_max3A_71 : vector<8732xf32> to vector<1x8732xf32>
    %sub3A_73 = vector.broadcast %broadcast_in_dim3A_72 : vector<1x8732xf32> to vector<81x8732xf32>
    %sub3A_74 = arith.subf %get3A_66, %sub3A_73 : vector<81x8732xf32>
    %exp3A_75 = math.exp %sub3A_74 : vector<81x8732xf32>
    %reduce_sum3A_76 = arith.constant dense<0.000000e+00> : vector<8732xf32>
    %reduce_sum3A_77 = vector.multi_reduction <add>, %exp3A_75, %reduce_sum3A_76 [0] : vector<81x8732xf32> to vector<8732xf32>
    %broadcast_in_dim3A_78 = vector.shape_cast %reduce_sum3A_77 : vector<8732xf32> to vector<1x8732xf32>
    %iota3A_79 = tpu.iota {dimensions = array<i32: 0>} : vector<81x8732xi32>
    %eq3A_80 = vector.broadcast %get3A_69 : vector<1x8732xi32> to vector<81x8732xi32>
    %eq3A_81 = arith.cmpi eq, %iota3A_79, %eq3A_80 : vector<81x8732xi32>
    %jit3A_82 = arith.constant 0.000000e+00 : f32
    %broadcast_in_dim3A_83 = vector.broadcast %jit3A_82 : f32 to vector<81x8732xf32>
    %select_n3A_84 = arith.select %eq3A_81, %get3A_66, %broadcast_in_dim3A_83 : vector<81x8732xi1>, vector<81x8732xf32>
    %reduce_sum3A_85 = arith.constant dense<0.000000e+00> : vector<8732xf32>
    %reduce_sum3A_86 = vector.multi_reduction <add>, %select_n3A_84, %reduce_sum3A_85 [0] : vector<81x8732xf32> to vector<8732xf32>
    %broadcast_in_dim3A_87 = vector.shape_cast %reduce_sum3A_86 : vector<8732xf32> to vector<1x8732xf32>
    %log3A_88 = math.log %broadcast_in_dim3A_78 : vector<1x8732xf32>
    %add3A_89 = arith.addf %broadcast_in_dim3A_72, %log3A_88 : vector<1x8732xf32>
    %sub3A_90 = arith.subf %add3A_89, %broadcast_in_dim3A_87 : vector<1x8732xf32>
    %gt3A_91 = arith.constant 0 : i32
    %gt3A_92 = vector.broadcast %gt3A_91 : i32 to vector<1x8732xi32>
    %gt3A_93 = arith.cmpi sgt, %get3A_69, %gt3A_92 : vector<1x8732xi32>
    %convert_element_type3A_94 = arith.extui %gt3A_93 : vector<1x8732xi1> to vector<1x8732xi32>
    %convert_element_type3A_95 = arith.sitofp %convert_element_type3A_94 : vector<1x8732xi32> to vector<1x8732xf32>
    %max3A_96 = arith.constant 0.000000e+00 : f32
    %max3A_97 = vector.broadcast %max3A_96 : f32 to vector<1x8732xf32>
    %max3A_98 = arith.maximumf %sub3A_90, %max3A_97 : vector<1x8732xf32>
    %jit3A_99 = arith.constant 0.000000e+00 : f32
    %broadcast_in_dim3A_100 = vector.broadcast %jit3A_99 : f32 to vector<1x8732xf32>
    %select_n3A_101 = arith.select %gt3A_93, %broadcast_in_dim3A_100, %max3A_98 : vector<1x8732xi1>, vector<1x8732xf32>
    %swap3A_102 = arith.index_cast %add3A_61 : i32 to index
    %swap3A_103 = arith.constant 0 : index
    %swap3A_104 = vector.load %arg5[%swap3A_102, %swap3A_103] : memref<64x8732xf32, #tpu.memory_space<vmem>>, vector<1x8732xf32>
    tpu.vector_store %arg5[%swap3A_102, %swap3A_103], %select_n3A_101 {strides = array<i32>} : memref<64x8732xf32, #tpu.memory_space<vmem>>, vector<1x8732xf32>,
    %mul3A_105 = arith.mulf %sub3A_90, %convert_element_type3A_95 : vector<1x8732xf32>
    %reduce_sum3A_106 = vector.shape_cast %mul3A_105 : vector<1x8732xf32> to vector<1x1x8732xf32>
    %reduce_sum3A_107 = arith.constant dense<0.000000e+00> : vector<1xf32>
    %reduce_sum3A_108 = vector.multi_reduction <add>, %reduce_sum3A_106, %reduce_sum3A_107 [1, 2] : vector<1x1x8732xf32> to vector<1xf32>
    %reduce_sum3A_109 = vector.shape_cast %reduce_sum3A_108 : vector<1xf32> to vector<1x1x1xf32>
    %reduce_sum3A_110 = vector.extract %reduce_sum3A_109[0, 0, 0] : f32 from vector<1x1x1xf32>
    %broadcast_in_dim3A_111 = vector.broadcast %reduce_sum3A_110 : f32 to vector<1x128xf32>
    %swap3A_112 = arith.index_cast %add3A_61 : i32 to index
    %swap3A_113 = arith.constant 0 : index
    %swap3A_114 = vector.load %arg6[%swap3A_112, %swap3A_113] : memref<64x128xf32, #tpu.memory_space<vmem>>, vector<1x128xf32>
    tpu.vector_store %arg6[%swap3A_112, %swap3A_113], %broadcast_in_dim3A_111 {strides = array<i32>} : memref<64x128xf32, #tpu.memory_space<vmem>>, vector<1x128xf32>,
    %reduce_sum3A_115 = vector.shape_cast %convert_element_type3A_95 : vector<1x8732xf32> to vector<1x1x8732xf32>
    %reduce_sum3A_116 = arith.constant dense<0.000000e+00> : vector<1xf32>
    %reduce_sum3A_117 = vector.multi_reduction <add>, %reduce_sum3A_115, %reduce_sum3A_116 [1, 2] : vector<1x1x8732xf32> to vector<1xf32>
    %reduce_sum3A_118 = vector.shape_cast %reduce_sum3A_117 : vector<1xf32> to vector<1x1x1xf32>
    %reduce_sum3A_119 = vector.extract %reduce_sum3A_118[0, 0, 0] : f32 from vector<1x1x1xf32>
    %broadcast_in_dim3A_120 = vector.broadcast %reduce_sum3A_119 : f32 to vector<1x128xf32>
    %swap3A_121 = arith.index_cast %add3A_61 : i32 to index
    %swap3A_122 = arith.constant 0 : index
    %swap3A_123 = vector.load %arg7[%swap3A_121, %swap3A_122] : memref<64x128xf32, #tpu.memory_space<vmem>>, vector<1x128xf32>
    tpu.vector_store %arg7[%swap3A_121, %swap3A_122], %broadcast_in_dim3A_120 {strides = array<i32>} : memref<64x128xf32, #tpu.memory_space<vmem>>, vector<1x128xf32>,
    %reduce_sum3A_124 = vector.shape_cast %select_n3A_101 : vector<1x8732xf32> to vector<1x1x8732xf32>
    %reduce_sum3A_125 = arith.constant dense<0.000000e+00> : vector<1xf32>
    %reduce_sum3A_126 = vector.multi_reduction <add>, %reduce_sum3A_124, %reduce_sum3A_125 [1, 2] : vector<1x1x8732xf32> to vector<1xf32>
    %reduce_sum3A_127 = vector.shape_cast %reduce_sum3A_126 : vector<1xf32> to vector<1x1x1xf32>
    %reduce_sum3A_128 = vector.extract %reduce_sum3A_127[0, 0, 0] : f32 from vector<1x1x1xf32>
    %broadcast_in_dim3A_129 = vector.broadcast %reduce_sum3A_128 : f32 to vector<1x128xf32>
    %swap3A_130 = arith.index_cast %add3A_61 : i32 to index
    %swap3A_131 = arith.constant 0 : index
    %swap3A_132 = vector.load %arg8[%swap3A_130, %swap3A_131] : memref<64x128xf32, #tpu.memory_space<vmem>>, vector<1x128xf32>
    tpu.vector_store %arg8[%swap3A_130, %swap3A_131], %broadcast_in_dim3A_129 {strides = array<i32>} : memref<64x128xf32, #tpu.memory_space<vmem>>, vector<1x128xf32>,
    %eq3A_133 = arith.constant 31 : i32
    %eq3A_134 = arith.cmpi eq, %arg0, %eq3A_133 : i32
    %convert_element_type3A_135 = arith.extui %eq3A_134 : i1 to i32
    %cond3A = arith.constant 0 : i32
    %cond3A_136 = arith.cmpi ne, %convert_element_type3A_135, %cond3A : i32
    scf.if %cond3A_136 {
      %get3A_137 = arith.constant 0 : index
      %get3A_138 = arith.constant 0 : index
      %get3A_139 = vector.load %arg6[%get3A_137, %get3A_138] : memref<64x128xf32, #tpu.memory_space<vmem>>, vector<64x1xf32>
      %get3A_140 = arith.constant 0 : index
      %get3A_141 = arith.constant 0 : index
      %get3A_142 = vector.load %arg7[%get3A_140, %get3A_141] : memref<64x128xf32, #tpu.memory_space<vmem>>, vector<64x1xf32>
      %get3A_143 = arith.constant 0 : index
      %get3A_144 = arith.constant 0 : index
      %get3A_145 = vector.load %arg8[%get3A_143, %get3A_144] : memref<64x128xf32, #tpu.memory_space<vmem>>, vector<64x1xf32>
      %sub3A_146 = arith.constant 8.732000e+03 : f32
      %sub3A_147 = vector.broadcast %sub3A_146 : f32 to vector<64x1xf32>
      %sub3A_148 = arith.subf %sub3A_147, %get3A_142 : vector<64x1xf32>
      %mul3A_149 = arith.constant 3.000000e+00 : f32
      %mul3A_150 = vector.broadcast %mul3A_149 : f32 to vector<64x1xf32>
      %mul3A_151 = arith.mulf %mul3A_150, %get3A_142 : vector<64x1xf32>
      %min3A = arith.minimumf %mul3A_151, %sub3A_148 : vector<64x1xf32>
      %ge3A = arith.cmpf oge, %min3A, %sub3A_148 : vector<64x1xf32>
      %reduce_and3A = arith.constant 1.000000e+00 : f32
      %reduce_and3A_152 = arith.constant 0.000000e+00 : f32
      %reduce_and3A_153 = vector.broadcast %reduce_and3A : f32 to vector<64x1xf32>
      %reduce_and3A_154 = vector.broadcast %reduce_and3A_152 : f32 to vector<64x1xf32>
      %reduce_and3A_155 = arith.select %ge3A, %reduce_and3A_153, %reduce_and3A_154 : vector<64x1xi1>, vector<64x1xf32>
      %reduce_and3A_156 = vector.shape_cast %reduce_and3A_155 : vector<64x1xf32> to vector<1x64x1xf32>
      %reduce_and3A_157 = arith.constant dense<0x7F800000> : vector<1xf32>
      %reduce_and3A_158 = vector.multi_reduction <minimumf>, %reduce_and3A_156, %reduce_and3A_157 [1, 2] : vector<1x64x1xf32> to vector<1xf32>
      %reduce_and3A_159 = vector.shape_cast %reduce_and3A_158 : vector<1xf32> to vector<1x1x1xf32>
      %reduce_and3A_160 = vector.extract %reduce_and3A_159[0, 0, 0] : f32 from vector<1x1x1xf32>
      %reduce_and3A_161 = arith.constant 0.000000e+00 : f32
      %reduce_and3A_162 = arith.cmpf ogt, %reduce_and3A_160, %reduce_and3A_161 : f32
      %convert_element_type3A_163 = arith.extui %reduce_and3A_162 : i1 to i32
      %cond3A_164 = arith.constant 0 : i32
      %cond3A_165 = arith.cmpi ne, %convert_element_type3A_163, %cond3A_164 : i32
      %cond3A_166 = scf.if %cond3A_165 -> (vector<64x1xf32>) {
        scf.yield %get3A_145 : vector<64x1xf32>
      } else {
        %get3A_184 = arith.constant 0 : index
        %get3A_185 = arith.constant 0 : index
        %get3A_186 = vector.load %arg5[%get3A_184, %get3A_185] : memref<64x8732xf32, #tpu.memory_space<vmem>>, vector<64x8732xf32>
        %bitcast_convert_type3A = tpu.bitcast %get3A_186 : vector<64x8732xf32> -> vector<64x8732xi32>
        %broadcast_in_dim3A_187 = arith.constant 0 : i32
        %broadcast_in_dim3A_188 = vector.broadcast %broadcast_in_dim3A_187 : i32 to vector<64x1xi32>
        %broadcast_in_dim3A_189 = arith.constant 2139095040 : i32
        %broadcast_in_dim3A_190 = vector.broadcast %broadcast_in_dim3A_189 : i32 to vector<64x1xi32>
        %scan3A = arith.constant 0 : i32
        %scan3A_191 = arith.constant 31 : i32
        %scan3A_192 = arith.addi %scan3A, %scan3A_191 : i32
        %scan3A_193 = arith.constant 1 : i32
        %scan3A_194:2 = scf.for %scan3A_213 = %scan3A to %scan3A_192 step %scan3A_193 iter_args(%scan3A_214 = %broadcast_in_dim3A_188, %scan3A_215 = %broadcast_in_dim3A_190) -> (vector<64x1xi32>, vector<64x1xi32>)  : i32 {
          %sub3A_216 = arith.subi %scan3A_215, %scan3A_214 : vector<64x1xi32>
          %jit3A_217 = arith.constant 2 : i32
          %div3A = vector.broadcast %jit3A_217 : i32 to vector<64x1xi32>
          %div3A_218 = arith.divsi %sub3A_216, %div3A : vector<64x1xi32>
          %sign3A = arith.constant 0 : i32
          %sign3A_219 = vector.broadcast %sign3A : i32 to vector<64x1xi32>
          %sign3A_220 = arith.cmpi sgt, %sub3A_216, %sign3A_219 : vector<64x1xi32>
          %sign3A_221 = arith.extui %sign3A_220 : vector<64x1xi1> to vector<64x1xi32>
          %sign3A_222 = arith.constant 0 : i32
          %sign3A_223 = vector.broadcast %sign3A_222 : i32 to vector<64x1xi32>
          %sign3A_224 = arith.cmpi slt, %sub3A_216, %sign3A_223 : vector<64x1xi32>
          %sign3A_225 = arith.extui %sign3A_224 : vector<64x1xi1> to vector<64x1xi32>
          %sign3A_226 = arith.subi %sign3A_221, %sign3A_225 : vector<64x1xi32>
          %sign3A_227 = arith.constant 0 : i32
          %sign3A_228 = arith.cmpi sgt, %jit3A_217, %sign3A_227 : i32
          %sign3A_229 = arith.extui %sign3A_228 : i1 to i32
          %sign3A_230 = arith.constant 0 : i32
          %sign3A_231 = arith.cmpi slt, %jit3A_217, %sign3A_230 : i32
          %sign3A_232 = arith.extui %sign3A_231 : i1 to i32
          %sign3A_233 = arith.subi %sign3A_229, %sign3A_232 : i32
          %ne3A = vector.broadcast %sign3A_233 : i32 to vector<64x1xi32>
          %ne3A_234 = arith.cmpi ne, %sign3A_226, %ne3A : vector<64x1xi32>
          %rem3A = vector.broadcast %jit3A_217 : i32 to vector<64x1xi32>
          %rem3A_235 = arith.remsi %sub3A_216, %rem3A : vector<64x1xi32>
          %ne3A_236 = arith.constant 0 : i32
          %ne3A_237 = vector.broadcast %ne3A_236 : i32 to vector<64x1xi32>
          %ne3A_238 = arith.cmpi ne, %rem3A_235, %ne3A_237 : vector<64x1xi32>
          %and3A = arith.andi %ne3A_234, %ne3A_238 : vector<64x1xi1>
          %sub3A_239 = arith.constant 1 : i32
          %sub3A_240 = vector.broadcast %sub3A_239 : i32 to vector<64x1xi32>
          %sub3A_241 = arith.subi %div3A_218, %sub3A_240 : vector<64x1xi32>
          %select_n3A_242 = arith.select %and3A, %sub3A_241, %div3A_218 : vector<64x1xi1>, vector<64x1xi32>
          %add3A_243 = arith.addi %scan3A_214, %select_n3A_242 : vector<64x1xi32>
          %gt3A_244 = vector.broadcast %add3A_243 : vector<64x1xi32> to vector<64x8732xi32>
          %gt3A_245 = arith.cmpi sgt, %bitcast_convert_type3A, %gt3A_244 : vector<64x8732xi32>
          %convert_element_type3A_246 = arith.extui %gt3A_245 : vector<64x8732xi1> to vector<64x8732xi32>
          %convert_element_type3A_247 = arith.sitofp %convert_element_type3A_246 : vector<64x8732xi32> to vector<64x8732xf32>
          %reduce_sum3A_248 = arith.constant dense<0.000000e+00> : vector<64xf32>
          %reduce_sum3A_249 = vector.multi_reduction <add>, %convert_element_type3A_247, %reduce_sum3A_248 [1] : vector<64x8732xf32> to vector<64xf32>
          %broadcast_in_dim3A_250 = vector.shape_cast %reduce_sum3A_249 : vector<64xf32> to vector<64x1xf32>
          %ge3A_251 = arith.cmpf oge, %broadcast_in_dim3A_250, %min3A : vector<64x1xf32>
          %add3A_252 = arith.constant 1 : i32
          %add3A_253 = vector.broadcast %add3A_252 : i32 to vector<64x1xi32>
          %add3A_254 = arith.addi %add3A_243, %add3A_253 : vector<64x1xi32>
          %select_n3A_255 = arith.select %ge3A_251, %add3A_254, %scan3A_214 : vector<64x1xi1>, vector<64x1xi32>
          %select_n3A_256 = arith.select %ge3A_251, %scan3A_215, %add3A_243 : vector<64x1xi1>, vector<64x1xi32>
          scf.yield %select_n3A_255, %select_n3A_256 : vector<64x1xi32>, vector<64x1xi32>
        }
        %bitcast_convert_type3A_195 = tpu.bitcast %scan3A_194#1 : vector<64x1xi32> -> vector<64x1xf32>
        %gt3A_196 = vector.broadcast %scan3A_194#1 : vector<64x1xi32> to vector<64x8732xi32>
        %gt3A_197 = arith.cmpi sgt, %bitcast_convert_type3A, %gt3A_196 : vector<64x8732xi32>
        %convert_element_type3A_198 = arith.extui %gt3A_197 : vector<64x8732xi1> to vector<64x8732xi32>
        %convert_element_type3A_199 = arith.sitofp %convert_element_type3A_198 : vector<64x8732xi32> to vector<64x8732xf32>
        %reduce_sum3A_200 = arith.constant dense<0.000000e+00> : vector<64xf32>
        %reduce_sum3A_201 = vector.multi_reduction <add>, %convert_element_type3A_199, %reduce_sum3A_200 [1] : vector<64x8732xf32> to vector<64xf32>
        %broadcast_in_dim3A_202 = vector.shape_cast %reduce_sum3A_201 : vector<64xf32> to vector<64x1xf32>
        %jit3A_203 = arith.constant 0.000000e+00 : f32
        %broadcast_in_dim3A_204 = vector.broadcast %jit3A_203 : f32 to vector<64x8732xf32>
        %select_n3A_205 = arith.select %gt3A_197, %get3A_186, %broadcast_in_dim3A_204 : vector<64x8732xi1>, vector<64x8732xf32>
        %reduce_sum3A_206 = arith.constant dense<0.000000e+00> : vector<64xf32>
        %reduce_sum3A_207 = vector.multi_reduction <add>, %select_n3A_205, %reduce_sum3A_206 [1] : vector<64x8732xf32> to vector<64xf32>
        %broadcast_in_dim3A_208 = vector.shape_cast %reduce_sum3A_207 : vector<64xf32> to vector<64x1xf32>
        %sub3A_209 = arith.subf %min3A, %broadcast_in_dim3A_202 : vector<64x1xf32>
        %mul3A_210 = arith.mulf %sub3A_209, %bitcast_convert_type3A_195 : vector<64x1xf32>
        %add3A_211 = arith.addf %broadcast_in_dim3A_208, %mul3A_210 : vector<64x1xf32>
        %select_n3A_212 = arith.select %ge3A, %get3A_145, %add3A_211 : vector<64x1xi1>, vector<64x1xf32>
        scf.yield %select_n3A_212 : vector<64x1xf32>
      }
      %ge3A_167 = arith.constant 5.000000e-01 : f32
      %ge3A_168 = vector.broadcast %ge3A_167 : f32 to vector<64x1xf32>
      %ge3A_169 = arith.cmpf oge, %min3A, %ge3A_168 : vector<64x1xf32>
      %jit3A_170 = arith.constant 0.000000e+00 : f32
      %broadcast_in_dim3A_171 = vector.broadcast %jit3A_170 : f32 to vector<64x1xf32>
      %select_n3A_172 = arith.select %ge3A_169, %cond3A_166, %broadcast_in_dim3A_171 : vector<64x1xi1>, vector<64x1xf32>
      %add3A_173 = arith.addf %get3A_139, %select_n3A_172 : vector<64x1xf32>
      %broadcast_in_dim3A_174 = vector.shape_cast %add3A_173 : vector<64x1xf32> to vector<64x1xf32>
      %broadcast_in_dim3A_175 = vector.broadcast %broadcast_in_dim3A_174 : vector<64x1xf32> to vector<64x128xf32>
      %swap3A_176 = arith.constant 0 : index
      %swap3A_177 = arith.constant 0 : index
      %swap3A_178 = vector.load %arg3[%swap3A_176, %swap3A_177] : memref<64x128xf32, #tpu.memory_space<vmem>>, vector<64x128xf32>
      tpu.vector_store %arg3[%swap3A_176, %swap3A_177], %broadcast_in_dim3A_175 {strides = array<i32>} : memref<64x128xf32, #tpu.memory_space<vmem>>, vector<64x128xf32>,
      %broadcast_in_dim3A_179 = vector.shape_cast %get3A_142 : vector<64x1xf32> to vector<64x1xf32>
      %broadcast_in_dim3A_180 = vector.broadcast %broadcast_in_dim3A_179 : vector<64x1xf32> to vector<64x128xf32>
      %swap3A_181 = arith.constant 0 : index
      %swap3A_182 = arith.constant 0 : index
      %swap3A_183 = vector.load %arg4[%swap3A_181, %swap3A_182] : memref<64x128xf32, #tpu.memory_space<vmem>>, vector<64x128xf32>
      tpu.vector_store %arg4[%swap3A_181, %swap3A_182], %broadcast_in_dim3A_180 {strides = array<i32>} : memref<64x128xf32, #tpu.memory_space<vmem>>, vector<64x128xf32>,
    } else {
    }
    return
  }
  func.func @transform_0(%arg0: i32) -> (i32, i32, i32) {
    %c0_i32 = arith.constant 0 : i32
    %c0_i32_0 = arith.constant 0 : i32
    %c0_i32_1 = arith.constant 0 : i32
    return %arg0, %c0_i32, %c0_i32_0 : i32, i32, i32
  }
  func.func @transform_1(%arg0: i32) -> (i32, i32) {
    %c0_i32 = arith.constant 0 : i32
    %c0_i32_0 = arith.constant 0 : i32
    %c0_i32_1 = arith.constant 0 : i32
    return %c0_i32, %c0_i32_0 : i32, i32
  }
  func.func @transform_2(%arg0: i32) -> (i32, i32) {
    %c0_i32 = arith.constant 0 : i32
    %c0_i32_0 = arith.constant 0 : i32
    %c0_i32_1 = arith.constant 0 : i32
    return %c0_i32, %c0_i32_0 : i32, i32
  }
  func.func @transform_3(%arg0: i32) -> (i32, i32) {
    %c0_i32 = arith.constant 0 : i32
    %c0_i32_0 = arith.constant 0 : i32
    %c0_i32_1 = arith.constant 0 : i32
    return %c0_i32, %c0_i32_0 : i32, i32
  }
}

module attributes {stable_mosaic.version = 14 : i64} {
  func.func @_tc_combine(%arg0: memref<64x128xf32, #tpu.memory_space<vmem>>, %arg1: memref<64x128xf32, #tpu.memory_space<vmem>>, %arg2: memref<64x16xf32, #tpu.memory_space<vmem>>, %arg3: memref<8x128xf32, #tpu.memory_space<vmem>>) attributes {dimension_semantics = [], scalar_prefetch = 0 : i64, scratch_operands = 0 : i64, tpu.core_type = #tpu.core_type<tc>} {
    %get3A = arith.constant 0 : index
    %get3A_0 = arith.constant 0 : index
    %get3A_1 = vector.load %arg0[%get3A, %get3A_0] : memref<64x128xf32, #tpu.memory_space<vmem>>, vector<64x1xf32>
    %get3A_2 = arith.constant 0 : index
    %get3A_3 = arith.constant 0 : index
    %get3A_4 = vector.load %arg1[%get3A_2, %get3A_3] : memref<64x128xf32, #tpu.memory_space<vmem>>, vector<64x1xf32>
    %get3A_5 = arith.constant 0 : index
    %get3A_6 = arith.constant 0 : index
    %get3A_7 = vector.load %arg2[%get3A_5, %get3A_6] : memref<64x16xf32, #tpu.memory_space<vmem>>, vector<64x16xf32>
    %reduce_sum3A = arith.constant dense<0.000000e+00> : vector<64xf32>
    %reduce_sum3A_8 = vector.multi_reduction <add>, %get3A_7, %reduce_sum3A [1] : vector<64x16xf32> to vector<64xf32>
    %broadcast_in_dim3A = vector.shape_cast %reduce_sum3A_8 : vector<64xf32> to vector<64x1xf32>
    %mul3A = arith.constant 1.000000e+00 : f32
    %mul3A_9 = vector.broadcast %mul3A : f32 to vector<64x1xf32>
    %mul3A_10 = arith.mulf %mul3A_9, %broadcast_in_dim3A : vector<64x1xf32>
    %add3A = arith.addf %get3A_1, %mul3A_10 : vector<64x1xf32>
    %gt3A = arith.constant 0.000000e+00 : f32
    %gt3A_11 = vector.broadcast %gt3A : f32 to vector<64x1xf32>
    %gt3A_12 = arith.cmpf ogt, %get3A_4, %gt3A_11 : vector<64x1xf32>
    %convert_element_type3A = arith.extui %gt3A_12 : vector<64x1xi1> to vector<64x1xi32>
    %convert_element_type3A_13 = arith.sitofp %convert_element_type3A : vector<64x1xi32> to vector<64x1xf32>
    %jit3A = arith.constant 9.99999997E-7 : f32
    %max3A = vector.broadcast %jit3A : f32 to vector<64x1xf32>
    %max3A_14 = arith.maximumf %max3A, %get3A_4 : vector<64x1xf32>
    %reduce_sum3A_15 = vector.shape_cast %max3A_14 : vector<64x1xf32> to vector<1x64x1xf32>
    %reduce_sum3A_16 = arith.constant dense<0.000000e+00> : vector<1xf32>
    %reduce_sum3A_17 = vector.multi_reduction <add>, %reduce_sum3A_15, %reduce_sum3A_16 [1, 2] : vector<1x64x1xf32> to vector<1xf32>
    %reduce_sum3A_18 = vector.shape_cast %reduce_sum3A_17 : vector<1xf32> to vector<1x1x1xf32>
    %reduce_sum3A_19 = vector.extract %reduce_sum3A_18[0, 0, 0] : f32 from vector<1x1x1xf32>
    %mul3A_20 = arith.mulf %get3A_1, %convert_element_type3A_13 : vector<64x1xf32>
    %reduce_sum3A_21 = vector.shape_cast %mul3A_20 : vector<64x1xf32> to vector<1x64x1xf32>
    %reduce_sum3A_22 = arith.constant dense<0.000000e+00> : vector<1xf32>
    %reduce_sum3A_23 = vector.multi_reduction <add>, %reduce_sum3A_21, %reduce_sum3A_22 [1, 2] : vector<1x64x1xf32> to vector<1xf32>
    %reduce_sum3A_24 = vector.shape_cast %reduce_sum3A_23 : vector<1xf32> to vector<1x1x1xf32>
    %reduce_sum3A_25 = vector.extract %reduce_sum3A_24[0, 0, 0] : f32 from vector<1x1x1xf32>
    %div3A = arith.divf %reduce_sum3A_25, %reduce_sum3A_19 : f32
    %mul3A_26 = arith.mulf %broadcast_in_dim3A, %convert_element_type3A_13 : vector<64x1xf32>
    %reduce_sum3A_27 = vector.shape_cast %mul3A_26 : vector<64x1xf32> to vector<1x64x1xf32>
    %reduce_sum3A_28 = arith.constant dense<0.000000e+00> : vector<1xf32>
    %reduce_sum3A_29 = vector.multi_reduction <add>, %reduce_sum3A_27, %reduce_sum3A_28 [1, 2] : vector<1x64x1xf32> to vector<1xf32>
    %reduce_sum3A_30 = vector.shape_cast %reduce_sum3A_29 : vector<1xf32> to vector<1x1x1xf32>
    %reduce_sum3A_31 = vector.extract %reduce_sum3A_30[0, 0, 0] : f32 from vector<1x1x1xf32>
    %div3A_32 = arith.divf %reduce_sum3A_31, %reduce_sum3A_19 : f32
    %mul3A_33 = arith.mulf %add3A, %convert_element_type3A_13 : vector<64x1xf32>
    %reduce_sum3A_34 = vector.shape_cast %mul3A_33 : vector<64x1xf32> to vector<1x64x1xf32>
    %reduce_sum3A_35 = arith.constant dense<0.000000e+00> : vector<1xf32>
    %reduce_sum3A_36 = vector.multi_reduction <add>, %reduce_sum3A_34, %reduce_sum3A_35 [1, 2] : vector<1x64x1xf32> to vector<1xf32>
    %reduce_sum3A_37 = vector.shape_cast %reduce_sum3A_36 : vector<1xf32> to vector<1x1x1xf32>
    %reduce_sum3A_38 = vector.extract %reduce_sum3A_37[0, 0, 0] : f32 from vector<1x1x1xf32>
    %div3A_39 = arith.divf %reduce_sum3A_38, %reduce_sum3A_19 : f32
    %broadcast_in_dim3A_40 = vector.broadcast %div3A : f32 to vector<1x128xf32>
    %swap3A = arith.constant 0 : index
    %swap3A_41 = arith.constant 0 : index
    %swap3A_42 = vector.load %arg3[%swap3A, %swap3A_41] : memref<8x128xf32, #tpu.memory_space<vmem>>, vector<1x128xf32>
    tpu.vector_store %arg3[%swap3A, %swap3A_41], %broadcast_in_dim3A_40 {strides = array<i32>} : memref<8x128xf32, #tpu.memory_space<vmem>>, vector<1x128xf32>,
    %broadcast_in_dim3A_43 = vector.broadcast %div3A_32 : f32 to vector<1x128xf32>
    %swap3A_44 = arith.constant 1 : index
    %swap3A_45 = arith.constant 0 : index
    %swap3A_46 = vector.load %arg3[%swap3A_44, %swap3A_45] : memref<8x128xf32, #tpu.memory_space<vmem>>, vector<1x128xf32>
    tpu.vector_store %arg3[%swap3A_44, %swap3A_45], %broadcast_in_dim3A_43 {strides = array<i32>} : memref<8x128xf32, #tpu.memory_space<vmem>>, vector<1x128xf32>,
    %broadcast_in_dim3A_47 = vector.broadcast %div3A_39 : f32 to vector<1x128xf32>
    %swap3A_48 = arith.constant 2 : index
    %swap3A_49 = arith.constant 0 : index
    %swap3A_50 = vector.load %arg3[%swap3A_48, %swap3A_49] : memref<8x128xf32, #tpu.memory_space<vmem>>, vector<1x128xf32>
    tpu.vector_store %arg3[%swap3A_48, %swap3A_49], %broadcast_in_dim3A_47 {strides = array<i32>} : memref<8x128xf32, #tpu.memory_space<vmem>>, vector<1x128xf32>,
    return
  }
}

</mosaic_0001>

<sc_bundles>
// kernel: kernel.5.cloned.1.call-start
scs
__scs_entry_jumppad:
0x0: {  	(pc) =	sbr.rel $0x88, $3  }
0x1: {  	(tag) =	ssettag $0x0;
	lr =	simm.s32 $0x1  }
0x2: {  	[smem:$0x3F9D] =	sst lr;
	_ =	strace $0xD0000000  }
0x3: {  	_ = 	snop  }
0x4: {  	_ = 	snop  }
0x5: {  	_ = 	snop  }
0x6: {  	_ = 	snop  }
0x7: {  	_ = 	snop  }
__scs_overlays_trampoline_lowered:
0x8: {  	[smem:$0x3FAC] =	sst s0  }
0x9: {  	[smem:$0x3FAD] =	sst s1  }
0xa: {  	[smem:$0x3FAE] =	sst s2  }
0xb: {  	[smem:$0x3FAF] =	sst s3  }
0xc: {  	[smem:$0x3FB0] =	sst s4  }
0xd: {  	[smem:$0x3FB1] =	sst s5  }
0xe: {  	[smem:$0x3FB2] =	sst s6  }
0xf: {  	[smem:$0x3FB3] =	sst s7  }
0x10: {  	[smem:$0x3FB4] =	sst s8  }
0x11: {  	[smem:$0x3FB5] =	sst s9;
	s0 =	simm.s32 @!p0 $0x0  }
0x12: {  	s1 =	sld [smem:$0x3F9B];
	s0 =	simm.s32 @p0 $0x1  }
0x13: {  	[smem:$0x3FB6] =	sst s0;
	s0 =	simm.s32 @!p1 $0x0  }
0x14: {  	s2 =	sld [smem:$0x3F9A];
	s0 =	simm.s32 @p1 $0x1  }
0x15: {  	[smem:$0x3FB7] =	sst s0;
	s0 =	simm.s32 @!p2 $0x0  }
0x16: {  	s3 =	sld [smem:$0x3FDB];
	s0 =	simm.s32 @p2 $0x1  }
0x17: {  	s4 =	simm.s32 $0x1BF5;
	[smem:$0x3FB9] =	sst s0  }
0x18: {  	s0 =	sld [smem:$0x3F9C];
	_ =	swait.ge [sflag:s4], $0x0  }
0x19: {  	s7 =	sld [smem:$0x3F9D]  }
0x1a: {  	s8 =	sadd.s32 $0xFFFFE003, lr  }
0x1b: {  	s9 =	sadd.s32 $0xFFFFFEF7, lr;
	s5 =	simm.s32 $0xFFFFFFFF;
	p2 =	slt.u32 s8, $0xFFFFF086  }
0x1c: {  	p1 =	slt.u32 s9, $0xF7A;
	s5 =	simm.s32 @!p2 $0x0  }
0x1d: {  	s5 =	simm.s32 @p1 $0x1;
	p0 =	seq.s32 s7, s2  }
0x1e: {  	s7 =	smul.u32 @!p0 $0xF7A, s2;
	p2 =	seq.s32 @!p0 s5, $0x0  }
0x1f: {  	s9 =	smul.u32 $0xF7A, s1;
	s8 =	simm.s32 @!p0 $0x1BF5;
	p2 =	por !p2, p0  }
0x20: {  	[sflag:s8] =	ssyncset.s32 @!p0 $0xFFFFF086;
	s6 =	sadd.s32 @!p0 s3, s7;
	s7 =	simm.s32 @!p0 $0x108  }
0x21: {  	s3 =	sadd.s32 s3, s9;
	s6 =	sadd.s32 @!p0 $0x88, s6;
	s7 =	simm.s32 @p2 $0x1082  }
0x22: {  	[simem:s7], [sflag:s8] =	dma.local @!p0 [hbm:s6], $0xF7A  }
0x23: {  	s9 =	sor.u32 $0xD0000000, s2;
	s6 =	simm.s32 $0x108;
	_ =	swait.ge @!p0 [sflag:s8], $0x0  }
0x24: {  	s3 =	sadd.s32 $0x88, s3;
	s6 =	simm.s32 @!p1 $0x1082;
	[sflag:s4] =	ssyncset.s32 $0xFFFFF086  }
0x25: {  	[simem:s6], [sflag:s4] =	dma.local [hbm:s3], $0xF7A  }
0x26: {  	[smem:$0x3F9D] =	sst s1;
	(tag) =	ssettag s2;
	_ =	strace s9  }
0x27: {  	s1 =	sld [smem:$0x3FAD]  }
0x28: {  	s2 =	sld [smem:$0x3FAE]  }
0x29: {  	s4 =	sld [smem:$0x3FB0]  }
0x2a: {  	p0 =	seq.s32 s5, $0x0;
	s5 =	sld [smem:$0x3FB1]  }
0x2b: {  	s6 =	sld [smem:$0x3FB2]  }
0x2c: {  	s7 =	sld [smem:$0x3FB3]  }
0x2d: {  	s3 =	simm.s32 $0x108;
	s8 =	sld [smem:$0x3FB4]  }
0x2e: {  	s3 =	simm.s32 @!p0 $0x1082;
	s9 =	sld [smem:$0x3FB5]  }
0x2f: {  	lr =	sadd.s32 s0, s3;
	s0 =	sld [smem:$0x3FAC]  }
0x30: {  	s3 =	sld [smem:$0x3FAF]  }
0x31: {  	[smem:$0x3FB8] =	sst s10  }
0x32: {  	s10 =	sld [smem:$0x3FB6];
	_ =	sdelay $0x3  }
0x33: {  	p0 =	seq.s32 s10, $0x1;
	s10 =	sld [smem:$0x3FB8];
	_ =	sdelay $0x3  }
0x34: {  	[smem:$0x3FB8] =	sst s10  }
0x35: {  	s10 =	sld [smem:$0x3FB7];
	_ =	sdelay $0x3  }
0x36: {  	p1 =	seq.s32 s10, $0x1;
	s10 =	sld [smem:$0x3FB8];
	_ =	sdelay $0x3  }
0x37: {  	[smem:$0x3FB8] =	sst s10  }
0x38: {  	s10 =	sld [smem:$0x3FB9]  }
0x39: {  	_ = 	snop;
	(pc) =	sbr.ind lr, $3  }
0x3a: {  	_ = 	snop  }
0x3b: {  	_ = 	snop  }
0x3c: {  	p2 =	seq.s32 s10, $0x1;
	s10 =	sld [smem:$0x3FB8]  }
0x3d: {  	_ =	shalt  }
0x3e: {  	_ =	shalt  }
0x3f: {  	_ =	shalt  }
0x40: {  	_ =	shalt  }
0x41: {  	_ =	shalt  }
0x42: {  	_ =	shalt  }
0x43: {  	_ =	shalt  }
0x44: {  	_ =	shalt  }
0x45: {  	_ =	shalt  }
0x46: {  	_ =	shalt  }
0x47: {  	_ =	shalt  }
0x48: {  	_ =	shalt  }
0x49: {  	_ =	shalt  }
0x4a: {  	_ =	shalt  }
0x4b: {  	_ =	shalt  }
0x4c: {  	_ =	shalt  }
0x4d: {  	_ =	shalt  }
0x4e: {  	_ =	shalt  }
0x4f: {  	_ =	shalt  }
0x50: {  	_ =	shalt  }
0x51: {  	_ =	shalt  }
0x52: {  	_ =	shalt  }
0x53: {  	_ =	shalt  }
0x54: {  	_ =	shalt  }
0x55: {  	_ =	shalt  }
0x56: {  	_ =	shalt  }
0x57: {  	_ =	shalt  }
0x58: {  	_ =	shalt  }
0x59: {  	_ =	shalt  }
0x5a: {  	_ =	shalt  }
0x5b: {  	_ =	shalt  }
0x5c: {  	_ =	shalt  }
0x5d: {  	_ =	shalt  }
0x5e: {  	_ =	shalt  }
0x5f: {  	_ =	shalt  }
0x60: {  	_ =	shalt  }
0x61: {  	_ =	shalt  }
0x62: {  	_ =	shalt  }
0x63: {  	_ =	shalt  }
0x64: {  	_ =	shalt  }
0x65: {  	_ =	shalt  }
0x66: {  	_ =	shalt  }
0x67: {  	_ =	shalt  }
0x68: {  	_ =	shalt  }
0x69: {  	_ =	shalt  }
0x6a: {  	_ =	shalt  }
0x6b: {  	_ =	shalt  }
0x6c: {  	_ =	shalt  }
0x6d: {  	_ =	shalt  }
0x6e: {  	_ =	shalt  }
0x6f: {  	_ =	shalt  }
0x70: {  	_ =	shalt  }
0x71: {  	_ =	shalt  }
0x72: {  	_ =	shalt  }
0x73: {  	_ =	shalt  }
0x74: {  	_ =	shalt  }
0x75: {  	_ =	shalt  }
0x76: {  	_ =	shalt  }
0x77: {  	_ =	shalt  }
0x78: {  	_ =	shalt  }
0x79: {  	_ =	shalt  }
0x7a: {  	_ =	shalt  }
0x7b: {  	_ =	shalt  }
0x7c: {  	_ =	shalt  }
0x7d: {  	_ =	shalt  }
0x7e: {  	_ =	shalt  }
0x7f: {  	_ =	shalt  }
0x80: {  	_ =	shalt  }
0x81: {  	_ =	shalt  }
0x82: {  	_ =	shalt  }
0x83: {  	_ =	shalt  }
0x84: {  	_ =	shalt  }
0x85: {  	_ =	shalt  }
0x86: {  	_ =	shalt  }
0x87: {  	_ =	shalt  }
.Lfunc_end0:
.L_simem_size_0:
called_computation_lowered:
.L_overlay_start_0:
0x88: {  	s2 =	sld [smem:$0x3FD9]  }
0x89: {  	s3 =	sld [smem:$0x3FFE];
	_ =	sdelay $0x1  }
0x8a: {  	s1 =	srdreg.scid  }
0x8b: {  	s0 =	sand.u32 $0x1, s1  }
0x8c: {  	s16 =	sshll.u32 s0, $0xA;
	s2 =	sadd.s32 s3, s2  }
0x8d: {  	s2 =	sadd.s32 s2, s16  }
0x8e: {  	[smem:$0x3FC4] =	sst s2  }
0x8f: {  	_ = 	snop  }
0x90: {  	(tm) =	ssettm $0x1  }
0x91: {  	s17 =	sld [smem:$0x3FFB];
	_ =	sdelay $0x3  }
0x92: {  	_ =	strace s17  }
0x93: {  	s2 =	sld [smem:$0x3FFC];
	_ =	sdelay $0x3  }
0x94: {  	_ =	strace s2  }
0x95: {  	s2 =	sld [smem:$0x3FFD];
	_ =	sdelay $0x3  }
0x96: {  	_ =	strace s2  }
0x97: {  	_ =	strace $0x8FFFFFFF  }
0x98: {  	s18 =	sld [smem:$0x3FDB];
	_ =	sdelay $0x1  }
0x99: {  	s19 =	simm.s32 $_scs_section_size  }
0x9a: {  	s4 =	simm.s32 $_size__tile_overlayer_lowered;
	s5 =	simm.s32 $_tile_overlayer_lowered  }
0x9b: {  	s22 =	simm.s32 $0x1BFF;
	s21 =	sshll.u32 s5, $0x1;
	s2 =	sadd.s32 s19, s18  }
0x9c: {  	s6 =	simm.s32 $0x0;
	s20 =	sshll.u32 s4, $0x1;
	s4 =	sadd.s32 s21, s2  }
0x9d: {  	[timem:s6], [sflag:s22] =	dma.local [hbm:s4], s20  }
0x9e: {  	_ =	swait.ge [sflag:s22], s20  }
0x9f: {  	s3 =	ssub.s32 $0x0, s20;
	[sflag:s22] =	ssyncset.done $0x0  }
0xa0: {  	[sflag:s22] =	ssyncadd.s32 s3;
	_ =	sdelay $0x1  }
0xa1: {  	s23 =	simm.s32 $0x1B8B  }
0xa2: {  	_ =	swait.ge [sflag:s23], $0x1  }
0xa3: {  	[sflag:s23] =	ssyncset.done $0x0  }
0xa4: {  	s25 =	simm.s32 $0x1B8E;
	s24 =	sld [smem:$0x3FFE];
	[sflag:s23] =	ssyncadd.s32 $0xFFFFFFFF  }
0xa5: {  	s26 =	simm.s32 $execute0_lowered;
	[smem:$0x3FD2] =	sst s25  }
0xa6: {  	s4 =	sshll.u32 s26, $0x1;
	_ =	strace $0x80000046;
	[dreg:$0x1] =	wrdreg $0xFFFFFFFF  }
0xa7: {  	s28 =	simm.s32 $_size_execute0_lowered;
	s2 =	sadd.s32 s2, s4;
	[dreg:$0x0] =	wrdreg $0x0  }
0xa8: {  	s4 =	sshll.u32 s28, $0x1;
	[dreg:$0x2] =	wrdreg s2  }
0xa9: {  	[dreg:$0x3] =	wrdreg s4  }
0xaa: {  	[dreg:$0x4] =	wrdreg $0xC0  }
0xab: {  	_ =	task [dreg:s6], $0x5FFFF  }
0xac: {  	[dreg:$0x1] =	wrdreg $0xFFFFFFFF  }
0xad: {  	[dreg:$0x0] =	wrdreg $0x60  }
0xae: {  	[dreg:$0x2] =	wrdreg s24  }
0xaf: {  	[dreg:$0x3] =	wrdreg $0x9  }
0xb0: {  	_ =	task.clear_ibuf [dreg:s6], $0x4FFFF;
	_ =	strace $0x90000046  }
0xb1: {  	s29 =	simm.s32 $0x9;
	_ =	strace $0x80000048  }
0xb2: {  	_ =	swait.ge [sflag:s29], $0x1  }
0xb3: {  	[sflag:s29] =	ssyncadd.s32 $0xFFFFFFFF  }
0xb4: {  	_ =	strace $0x90000048  }
0xb5: {  	_ =	sfence  }
0xb6: {  	s30 =	sld [smem:$0x0];
	_ =	sdelay $0x2  }
0xb7: {  	s31 =	sshll.u32 s1, $0xD;
	s1 =	sshrl.u32 s1, $0x2  }
0xb8: {  	s3 =	sand.u32 $0x4000, s31;
	s1 =	sadd.s32 s1, s30  }
0xb9: {  	s0 =	sor.u32 s3, s0;
	s1 =	sshll.u32 s1, $0x11  }
0xba: {  	s0 =	sor.u32 s1, s0  }
0xbb: {  	s0 =	sadd.s32 $0x8F2B, s0  }
0xbc: {  	[sflag:s0] =	ssyncadd.remote.s32 $0x1  }
0xbd: {  	_ =	sfence.sel $0xFFFF  }
0xbe: {  	[dreg:$0x0] =	wrdreg $0xFFFFFFFF;
	(pc) =	sbr.abs _section_cstart, $3  }
0xbf: {  	[dreg:$0x1] =	wrdreg $0xFFFFFFFF  }
0xc0: {  	_ =	task.clear_ibuf [dreg:s6], $0x2FFFF;
	_ =	strace $0x9FFFFFFF  }
0xc1: {  	(tm) =	ssettm $0x7FFFFFFF  }
tec
execute0_lowered:
.L_overlay_start_1:
0x0: {  	(tag) =	ssettag $0x1  }
0x1: {  	s3 =	rddreg [dreg:$0x0]  }
0x2: {  	s0 =	rddreg [dreg:$0x1]  }
0x3: {  	s2 =	simm.s32 $0x0;
	s4 =	srdreg.scid;
	s1 =	stileid.u32  }
0x4: {  	s15 =	simm.s32 $0x8880;
	s16 =	simm.s32 $0x15580;
	s17 =	simm.s32 $0x0  }
0x5: {  	[smem:$0x7FF] =	sst s2;
	s4 =	sand.u32 $0x1, s4;
	s5 =	sshll.u32 s1, $0x1  }
0x6: {  	s7 =	sadd.s32 $0x1800, s3;
	s8 =	sadd.s32 $0x45C00, s3;
	s9 =	sshrl.u32 s1, $0x1  }
0x7: {  	s12 =	sadd.s32 $0x9B200, s3;
	s5 =	sor.u32 s4, s5;
	s10 =	smul.u32 $0x44400, s9  }
0x8: {  	_ =	strace $0x80000047;
	s4 =	ssub.s32 $0x2, s4;
	s6 =	smul.u32 $0x887, s5  }
0x9: {  	s9 =	sshll.u32 s9, $0xA;
	s5 =	sshll.u32 s5, $0x8;
	s11 =	sshrl.u32 s4, $0x1  }
0xa: {  	s5 =	sand.u32 $0x300, s5;
	s11 =	ssub.s32 s4, s11;
	s6 =	sadd.s32 s6, s3  }
0xb: {  	s29 =	sor.u32 s10, s5;
	s13 =	sor.u32 s9, s5;
	s14 =	sor.u32 $0x80, s5  }
0xc: {  	s3 =	sadd.s32 $0x8A000, s6;
	s30 =	sshrl.u32 s29, $0x3;
	s31 =	sshrl.u32 s13, $0x3  }
0xd: {  	s10 =	sor.u32 s10, s14;
	s9 =	sor.u32 s9, s14;
	s13 =	simm.s32 $0x80  }
0xe: {  	s14 =	simm.s32 $0x400;
	s4 =	sadd.s32 s7, s30;
	s5 =	sadd.s32 s8, s30  }
0xf: {  	s6 =	sadd.s32 s12, s31;
	s10 =	sshrl.u32 s10, $0x3;
	s9 =	sshrl.u32 s9, $0x3  }
0x10: {  	s7 =	sadd.s32 s7, s10;
	s8 =	sadd.s32 s8, s10;
	s9 =	sadd.s32 s12, s9  }
0x11: {  	vm0 =	vcmask $0x3F10;
	s10 =	smax.u32 s11, $0x1;
	s11 =	simm.s32 $0x11100;
	s12 =	simm.s32 $0x1  }
.LBB2_1:
0x12: {  	[tilespmem:s11], [sflag:$0x1] =	stream.linear.gather [hbm4b:s3+s2], $0x4438, $0x38;
	[tilespmem:$0x15600] =	vst v63  }
0x13: {  	_ =	swait.ge [sflag:s12], $0x4438  }
0x14: {  	[sflag:s12] =	ssyncset.done $0x0  }
0x15: {  	[sflag:s12] =	ssyncadd.s32 $0xFFFFBBC8  }
0x16: {  	[tilespmem:s2], [sflag:$0x1] =	stream.strided.gather [hbm4b:s4+s13], $0x8880, s14, s13, $0x38;
	[tilespmem:$0x15600] =	vst v63  }
0x17: {  	_ =	swait.ge [sflag:s12], $0x8880  }
0x18: {  	[sflag:s12] =	ssyncset.done $0x0  }
0x19: {  	[sflag:s12] =	ssyncadd.s32 $0xFFFF7780  }
0x1a: {  	[tilespmem:s15], [sflag:$0x1] =	stream.strided.gather [hbm4b:s5+s13], $0x8880, s14, s13, $0x38;
	[tilespmem:$0x15600] =	vst v63  }
0x1b: {  	_ =	swait.ge [sflag:s12], $0x8880  }
0x1c: {  	[sflag:s12] =	ssyncset.done $0x0  }
0x1d: {  	s19 =	simm.s32 $0x0;
	[sflag:s12] =	ssyncadd.s32 $0xFFFF7780  }
0x1e: {  	v0 =	vld [tilespmem:s19+$0x6654]  }
0x1f: {  	v1 =	vld [tilespmem:s19+$0xEED4]  }
0x20: {  	v3 =	vld [tilespmem:s19+$0x4438]  }
0x21: {  	v4 =	vld [tilespmem:s19+$0xCCB8]  }
0x22: {  	v2 =	vld [tilespmem:s19+$0x0]  }
0x23: {  	v5 =	vld [tilespmem:s19+$0x8880]  }
0x24: {  	v7 =	vld [tilespmem:s19+$0x221C]  }
0x25: {  	v8 =	vld [tilespmem:s19+$0xAA9C];
	_ =	sdelay $0x2  }
0x26: {  	v10 =	vsub.f32 v2, v5  }
0x27: {  	s18 =	simm.s32 $0x10;
	v2 =	vsub.f32 v0, v1;
	v1 =	vld [tilespmem:s19+$0x11100]  }
0x28: {  	v6 =	vsub.f32 v3, v4;
	v3 =	vld [tilespmem:s18+$0x6654];
	v16 =	vsub.f32 v7, v8;
	v12 =	vmul.f32 $5.000000000e-01, v10  }
0x29: {  	v0 =	vimm.f32 $0.0e+00;
	v4 =	vld [tilespmem:s18+$0xEED4];
	v7 =	vmul.f32 $5.000000000e-01, v2;
	v11 =	vand.u32 $0x7FFFFFFF, v10  }
0x2a: {  	v5 =	vld [tilespmem:s18+$0x4438];
	v9 =	vand.u32 $0x7FFFFFFF, v6;
	v17 =	vmul.f32 $5.000000000e-01, v16;
	v15 =	vmul.f32 v12, v10  }
0x2b: {  	v8 =	vld [tilespmem:s18+$0xCCB8];
	v14 =	vand.u32 $0x7FFFFFFF, v16;
	v13 =	vadd.f32 $-5.000000000e-01, v11;
	v12 =	vmul.f32 $5.000000000e-01, v6  }
0x2c: {  	s19 =	simm.s32 $0x80;
	v10 =	vld [tilespmem:s18+$0x0];
	v16 =	vmul.f32 v17, v16;
	v17 =	vadd.f32 $-5.000000000e-01, v14;
	v15 =	vadd.f32 $0.0e+00, v15  }
.LBB2_2:
0x2d: {  	p0 =	sne.s32 s19, $0x8800;
	v18 =	vld [tilespmem:s18+$0x8880];
	vm1 =	vlt.f32 v11, $1.000000000e+00;
	vm2 =	vlt.f32 v14, $1.000000000e+00;
	v11 =	vadd.f32 $-5.000000000e-01, v9  }
0x2e: {  	v6 =	vmul.f32 v12, v6;
	v14 =	vld [tilespmem:s18+$0x221C];
	v13 =	vsel vm1, v15, v13;
	v15 =	vsel vm2, v16, v17  }
0x2f: {  	vm1 =	vlt.f32 v9, $1.000000000e+00;
	v9 =	vand.u32 $0x7FFFFFFF, v2;
	v12 =	vld [tilespmem:s18+$0xAA9C];
	v13 =	vadd.f32 v15, v13  }
0x30: {  	v7 =	vmul.f32 v7, v2;
	v6 =	vsel vm1, v6, v11;
	v11 =	vadd.f32 $-5.000000000e-01, v9  }
0x31: {  	vm1 =	vlt.f32 v9, $1.000000000e+00;
	v13 =	vadd.f32 v6, v13  }
0x32: {  	v2 =	vsub.f32 v3, v4;
	v3 =	vsel vm1, v7, v11;
	v10 =	vsub.f32 v10, v18  }
0x33: {  	v6 =	vsub.f32 v5, v8;
	vm1 =	vgt.s32 v1, $0x0;
	v1 =	vld [tilespmem:s18+$0x11100];
	s18 =	sshra.s32 s19, $0x2;
	v5 =	vadd.f32 v3, v13  }
.Ltmp0:
0x34: {  	v7 =	vmul.f32 $5.000000000e-01, v2;
	v3 =	vld [tilespmem:s18+$0x6654];
	v8 =	vmul.f32 $5.000000000e-01, v10;
	v16 =	vsub.f32 v14, v12;
	(pc) =	sbr.rel @p0 .LBB2_2-.Ltmp0, $4  }
0x35: {  	v9 =	vand.u32 $0x7FFFFFFF, v6;
	v11 =	vand.u32 $0x7FFFFFFF, v10;
	v4 =	vld [tilespmem:s18+$0xEED4];
	v12 =	vnsel vm1, $0x0, v5  }
0x36: {  	v5 =	vld [tilespmem:s18+$0x4438];
	v15 =	vmul.f32 v8, v10;
	v17 =	vmul.f32 $5.000000000e-01, v16;
	v0 =	vadd.f32 v12, v0  }
0x37: {  	v13 =	vadd.f32 $-5.000000000e-01, v11;
	v14 =	vand.u32 $0x7FFFFFFF, v16;
	v12 =	vmul.f32 $5.000000000e-01, v6;
	v8 =	vld [tilespmem:s18+$0xCCB8]  }
0x38: {  	s19 =	sadd.s32 $0x40, s19;
	v10 =	vld [tilespmem:s18+$0x0];
	v15 =	vadd.f32 $0.0e+00, v15;
	v16 =	vmul.f32 v17, v16;
	v17 =	vadd.f32 $-5.000000000e-01, v14  }
0x39: {  	v18 =	vld [tilespmem:s18+$0x8880]  }
0x3a: {  	vm1 =	vlt.f32 v11, $1.000000000e+00;
	vm2 =	vlt.f32 v14, $1.000000000e+00;
	v11 =	vld [tilespmem:s18+$0x221C]  }
0x3b: {  	v14 =	vadd.f32 $-5.000000000e-01, v9;
	v13 =	vsel vm1, v15, v13;
	v15 =	vsel vm2, v16, v17;
	v16 =	vld [tilespmem:s18+$0xAA9C]  }
0x3c: {  	v6 =	vmul.f32 v12, v6;
	vm1 =	vlt.f32 v9, $1.000000000e+00;
	v3 =	vsub.f32 v3, v4  }
0x3d: {  	v12 =	vadd.f32 v15, v13;
	v13 =	vand.u32 $0x7FFFFFFF, v2;
	v2 =	vmul.f32 v7, v2  }
0x3e: {  	v6 =	vsel vm1, v6, v14;
	v7 =	vadd.f32 $-5.000000000e-01, v13;
	v4 =	vsub.f32 v5, v8  }
0x3f: {  	vm1 =	vlt.f32 v13, $1.000000000e+00;
	v6 =	vadd.f32 v6, v12;
	v9 =	vsub.f32 v10, v18  }
0x40: {  	v2 =	vsel vm1, v2, v7;
	vm1 =	vgt.s32 v1, $0x0;
	v7 =	vsub.f32 v11, v16  }
0x41: {  	v14 =	vmul.f32 $5.000000000e-01, v4;
	v1 =	vadd.f32 v2, v6;
	v5 =	vmul.f32 $5.000000000e-01, v9  }
0x42: {  	v12 =	vld [tilespmem:$0xAA8C];
	v2 =	vmul.f32 $5.000000000e-01, v3;
	v6 =	vand.u32 $0x7FFFFFFF, v9;
	v8 =	vmul.f32 $5.000000000e-01, v7  }
0x43: {  	v1 =	vnsel vm1, $0x0, v1;
	v11 =	vand.u32 $0x7FFFFFFF, v7;
	v5 =	vmul.f32 v5, v9;
	v9 =	vld [tilespmem:$0x220C]  }
0x44: {  	v13 =	vld [tilespmem:$0x4428];
	v10 =	vadd.f32 $-5.000000000e-01, v6;
	v7 =	vmul.f32 v8, v7;
	v8 =	vadd.f32 $-5.000000000e-01, v11  }
0x45: {  	vm1 =	vlt.f32 v6, $1.000000000e+00;
	v6 =	vld [tilespmem:$0xCCA8];
	vm2 =	vlt.f32 v11, $1.000000000e+00;
	v5 =	vadd.f32 $0.0e+00, v5  }
0x46: {  	v11 =	vand.u32 $0x7FFFFFFF, v4;
	v4 =	vmul.f32 v14, v4;
	v7 =	vsel vm2, v7, v8  }
0x47: {  	v8 =	vadd.f32 $-5.000000000e-01, v11;
	v5 =	vsel vm1, v5, v10;
	vm1 =	vlt.f32 v11, $1.000000000e+00;
	v11 =	vld [tilespmem:$0xEEC4]  }
0x48: {  	v10 =	vand.u32 $0x7FFFFFFF, v3;
	v5 =	vadd.f32 v7, v5;
	v7 =	vld [tilespmem:$0x6644];
	v9 =	vsub.f32 v9, v12  }
0x49: {  	v2 =	vmul.f32 v2, v3;
	v4 =	vsel vm1, v4, v8;
	v3 =	vadd.f32 $-5.000000000e-01, v10;
	v8 =	vld [tilespmem:$0x8860]  }
0x4a: {  	v6 =	vsub.f32 v13, v6;
	vm1 =	vlt.f32 v10, $1.000000000e+00;
	v12 =	vld [tilespmem:$0x110E0];
	v10 =	vmul.f32 $5.000000000e-01, v9  }
0x4b: {  	v4 =	vadd.f32 v4, v5;
	v2 =	vsel vm1, v2, v3;
	v3 =	vand.u32 $0x7FFFFFFF, v9  }
0x4c: {  	vm1 =	vlt.f32 v3, $1.000000000e+00;
	v5 =	vmul.f32 v10, v9;
	v9 =	vmul.f32 $5.000000000e-01, v6  }
0x4d: {  	v3 =	vadd.f32 $-5.000000000e-01, v3;
	v10 =	vand.u32 $0x7FFFFFFF, v6;
	v7 =	vsub.f32 v7, v11  }
0x4e: {  	v5 =	vadd.f32 $0.0e+00, v5;
	v6 =	vmul.f32 v9, v6;
	v9 =	vadd.f32 $-5.000000000e-01, v10  }
0x4f: {  	vm2 =	vlt.f32 v10, $1.000000000e+00;
	v8 =	vsub.f32 v8, v12;
	v10 =	vmul.f32 $5.000000000e-01, v7  }
0x50: {  	v11 =	vld [tilespmem:s18+$0x11100];
	v3 =	vsel vm1, v5, v3;
	v5 =	vsel vm2, v6, v9;
	v6 =	vand.u32 $0x7FFFFFFF, v7  }
0x51: {  	v12 =	vmul.f32 $5.000000000e-01, v8;
	v9 =	vld [tilespmem:$0x1330C];
	v7 =	vmul.f32 v10, v7;
	v10 =	vadd.f32 $-5.000000000e-01, v6  }
0x52: {  	v3 =	vadd.f32 v5, v3;
	vm1 =	vlt.f32 v6, $1.000000000e+00;
	v5 =	vand.u32 $0x7FFFFFFF, v8  }
0x53: {  	v6 =	vsel vm1, v7, v10;
	v7 =	vmul.f32 v12, v8;
	v8 =	vadd.f32 $-5.000000000e-01, v5  }
0x54: {  	v2 =	vadd.f32 v2, v4;
	vm1 =	vlt.f32 v5, $1.000000000e+00;
	v3 =	vadd.f32 v6, v3  }
0x55: {  	v0 =	vadd.f32 v1, v0;
	vm2 =	vgt.s32 v11, $0x0;
	v1 =	vsel vm1, v7, v8  }
0x56: {  	v2 =	vnsel vm2, $0x0, v2;
	vm1 =	vgt.s32 v9, $0x0;
	v1 =	vadd.f32 v1, v3  }
0x57: {  	v0 =	vadd.f32 v2, v0;
	vm1 =	vmand vm1, vm0  }
0x58: {  	v1 =	vnsel vm1, $0x0, v1  }
0x59: {  	v0 =	vadd.f32 v1, v0;
	_ =	sdelay $0x1  }
0x5a: {  	s31 =	simm.s32 $0x0;
	[tilespmem:$0x15580] =	vst v0  }
0x5b: {  	[hbm4b:s6+s31] =	stream.linear.scatter [tilespmem:s16], [sflag:$0x1], $0x80, $0x38;
	[tilespmem:$0x15600] =	vst v63  }
0x5c: {  	_ =	swait.ge [sflag:s12], $0x80  }
0x5d: {  	[sflag:s12] =	ssyncset.done $0x0  }
0x5e: {  	[sflag:s12] =	ssyncadd.s32 $0xFFFFFF80  }
0x5f: {  	[tilespmem:s31], [sflag:$0x1] =	stream.strided.gather [hbm4b:s7+s13], $0x8880, s14, s13, $0x38;
	[tilespmem:$0x15600] =	vst v63  }
0x60: {  	_ =	swait.ge [sflag:s12], $0x8880  }
0x61: {  	[sflag:s12] =	ssyncset.done $0x0  }
0x62: {  	[sflag:s12] =	ssyncadd.s32 $0xFFFF7780  }
0x63: {  	[tilespmem:s15], [sflag:$0x1] =	stream.strided.gather [hbm4b:s8+s13], $0x8880, s14, s13, $0x38;
	[tilespmem:$0x15600] =	vst v63  }
0x64: {  	_ =	swait.ge [sflag:s12], $0x8880  }
0x65: {  	[sflag:s12] =	ssyncset.done $0x0  }
0x66: {  	s19 =	simm.s32 $0x0;
	[sflag:s12] =	ssyncadd.s32 $0xFFFF7780  }
0x67: {  	v0 =	vld [tilespmem:s19+$0x6654]  }
0x68: {  	v1 =	vld [tilespmem:s19+$0xEED4]  }
0x69: {  	v3 =	vld [tilespmem:s19+$0x4438]  }
0x6a: {  	v4 =	vld [tilespmem:s19+$0xCCB8]  }
0x6b: {  	v2 =	vld [tilespmem:s19+$0x0]  }
0x6c: {  	v5 =	vld [tilespmem:s19+$0x8880]  }
0x6d: {  	v7 =	vld [tilespmem:s19+$0x221C]  }
0x6e: {  	v8 =	vld [tilespmem:s19+$0xAA9C];
	_ =	sdelay $0x2  }
0x6f: {  	v10 =	vsub.f32 v2, v5  }
0x70: {  	s18 =	simm.s32 $0x10;
	v2 =	vsub.f32 v0, v1;
	v1 =	vld [tilespmem:s19+$0x1331C]  }
0x71: {  	v6 =	vsub.f32 v3, v4;
	v3 =	vld [tilespmem:s18+$0x6654];
	v16 =	vsub.f32 v7, v8;
	v12 =	vmul.f32 $5.000000000e-01, v10  }
0x72: {  	v0 =	vimm.f32 $0.0e+00;
	v4 =	vld [tilespmem:s18+$0xEED4];
	v7 =	vmul.f32 $5.000000000e-01, v2;
	v11 =	vand.u32 $0x7FFFFFFF, v10  }
0x73: {  	v5 =	vld [tilespmem:s18+$0x4438];
	v9 =	vand.u32 $0x7FFFFFFF, v6;
	v17 =	vmul.f32 $5.000000000e-01, v16;
	v15 =	vmul.f32 v12, v10  }
0x74: {  	v8 =	vld [tilespmem:s18+$0xCCB8];
	v14 =	vand.u32 $0x7FFFFFFF, v16;
	v13 =	vadd.f32 $-5.000000000e-01, v11;
	v12 =	vmul.f32 $5.000000000e-01, v6  }
0x75: {  	s19 =	simm.s32 $0x80;
	v10 =	vld [tilespmem:s18+$0x0];
	v16 =	vmul.f32 v17, v16;
	v17 =	vadd.f32 $-5.000000000e-01, v14;
	v15 =	vadd.f32 $0.0e+00, v15  }
.LBB2_4:
0x76: {  	p0 =	sne.s32 s19, $0x8800;
	v18 =	vld [tilespmem:s18+$0x8880];
	vm1 =	vlt.f32 v11, $1.000000000e+00;
	vm2 =	vlt.f32 v14, $1.000000000e+00;
	v11 =	vadd.f32 $-5.000000000e-01, v9  }
0x77: {  	v6 =	vmul.f32 v12, v6;
	v14 =	vld [tilespmem:s18+$0x221C];
	v13 =	vsel vm1, v15, v13;
	v15 =	vsel vm2, v16, v17  }
0x78: {  	vm1 =	vlt.f32 v9, $1.000000000e+00;
	v9 =	vand.u32 $0x7FFFFFFF, v2;
	v12 =	vld [tilespmem:s18+$0xAA9C];
	v13 =	vadd.f32 v15, v13  }
0x79: {  	v7 =	vmul.f32 v7, v2;
	v6 =	vsel vm1, v6, v11;
	v11 =	vadd.f32 $-5.000000000e-01, v9  }
0x7a: {  	vm1 =	vlt.f32 v9, $1.000000000e+00;
	v13 =	vadd.f32 v6, v13  }
0x7b: {  	v2 =	vsub.f32 v3, v4;
	v3 =	vsel vm1, v7, v11;
	v10 =	vsub.f32 v10, v18  }
0x7c: {  	v6 =	vsub.f32 v5, v8;
	vm1 =	vgt.s32 v1, $0x0;
	v1 =	vld [tilespmem:s18+$0x1331C];
	s18 =	sshra.s32 s19, $0x2;
	v5 =	vadd.f32 v3, v13  }
.Ltmp1:
0x7d: {  	v7 =	vmul.f32 $5.000000000e-01, v2;
	v3 =	vld [tilespmem:s18+$0x6654];
	v8 =	vmul.f32 $5.000000000e-01, v10;
	v16 =	vsub.f32 v14, v12;
	(pc) =	sbr.rel @p0 .LBB2_4-.Ltmp1, $4  }
0x7e: {  	v9 =	vand.u32 $0x7FFFFFFF, v6;
	v11 =	vand.u32 $0x7FFFFFFF, v10;
	v4 =	vld [tilespmem:s18+$0xEED4];
	v12 =	vnsel vm1, $0x0, v5  }
0x7f: {  	v5 =	vld [tilespmem:s18+$0x4438];
	v15 =	vmul.f32 v8, v10;
	v17 =	vmul.f32 $5.000000000e-01, v16;
	v0 =	vadd.f32 v12, v0  }
0x80: {  	v13 =	vadd.f32 $-5.000000000e-01, v11;
	v14 =	vand.u32 $0x7FFFFFFF, v16;
	v12 =	vmul.f32 $5.000000000e-01, v6;
	v8 =	vld [tilespmem:s18+$0xCCB8]  }
0x81: {  	s19 =	sadd.s32 $0x40, s19;
	v10 =	vld [tilespmem:s18+$0x0];
	v15 =	vadd.f32 $0.0e+00, v15;
	v16 =	vmul.f32 v17, v16;
	v17 =	vadd.f32 $-5.000000000e-01, v14  }
0x82: {  	v18 =	vld [tilespmem:s18+$0x8880]  }
0x83: {  	v61 =	vld [tilespmem:s18+$0x221C]  }
0x84: {  	v20 =	vld [tilespmem:s18+$0xAA9C]  }
0x85: {  	vm1 =	vlt.f32 v11, $1.000000000e+00;
	vm2 =	vlt.f32 v14, $1.000000000e+00;
	v33 =	vld [tilespmem:$0x220C]  }
0x86: {  	v62 =	vadd.f32 $-5.000000000e-01, v9;
	v6 =	vmul.f32 v12, v6;
	v22 =	vand.u32 $0x7FFFFFFF, v2;
	v35 =	vld [tilespmem:$0xAA8C]  }
0x87: {  	v23 =	vmul.f32 v7, v2;
	v46 =	vld [tilespmem:$0x8860];
	v13 =	vsel vm1, v15, v13;
	v63 =	vsel vm2, v16, v17  }
0x88: {  	v48 =	vld [tilespmem:$0x110E0];
	vm1 =	vlt.f32 v9, $1.000000000e+00;
	v24 =	vadd.f32 $-5.000000000e-01, v22;
	v3 =	vsub.f32 v3, v4  }
0x89: {  	v37 =	vld [tilespmem:$0x4428];
	v21 =	vadd.f32 v63, v13;
	v6 =	vsel vm1, v6, v62;
	vm1 =	vlt.f32 v22, $1.000000000e+00  }
0x8a: {  	v39 =	vld [tilespmem:$0xCCA8];
	v2 =	vsel vm1, v23, v24;
	v26 =	vsub.f32 v5, v8;
	v43 =	vand.u32 $0x7FFFFFFF, v3  }
0x8b: {  	vm1 =	vgt.s32 v1, $0x0;
	v6 =	vadd.f32 v6, v21;
	v45 =	vadd.f32 $-5.000000000e-01, v43  }
0x8c: {  	v30 =	vmul.f32 $5.000000000e-01, v3;
	v25 =	vsub.f32 v10, v18;
	v28 =	vsub.f32 v61, v20  }
0x8d: {  	v40 =	vand.u32 $0x7FFFFFFF, v26;
	v9 =	vsub.f32 v33, v35;
	v8 =	vsub.f32 v46, v48  }
0x8e: {  	v38 =	vmul.f32 $5.000000000e-01, v26;
	v29 =	vadd.f32 v2, v6;
	v41 =	vadd.f32 $-5.000000000e-01, v40  }
0x8f: {  	v2 =	vmul.f32 v30, v3;
	v6 =	vsub.f32 v37, v39;
	v27 =	vmul.f32 $5.000000000e-01, v25  }
0x90: {  	v31 =	vand.u32 $0x7FFFFFFF, v25;
	v32 =	vmul.f32 $5.000000000e-01, v28;
	v11 =	vand.u32 $0x7FFFFFFF, v28  }
0x91: {  	v4 =	vmul.f32 v38, v26;
	v47 =	vmul.f32 $5.000000000e-01, v9;
	v49 =	vand.u32 $0x7FFFFFFF, v9  }
0x92: {  	v42 =	vld [tilespmem:$0x6644];
	v12 =	vmul.f32 $5.000000000e-01, v8;
	v1 =	vnsel vm1, $0x0, v29;
	v34 =	vadd.f32 $-5.000000000e-01, v31  }
0x93: {  	v44 =	vld [tilespmem:$0xEEC4];
	v36 =	vadd.f32 $-5.000000000e-01, v11;
	vm1 =	vlt.f32 v31, $1.000000000e+00;
	v5 =	vmul.f32 v27, v25  }
0x94: {  	vm2 =	vlt.f32 v11, $1.000000000e+00;
	v51 =	vmul.f32 $5.000000000e-01, v6;
	v3 =	vadd.f32 $-5.000000000e-01, v49  }
0x95: {  	v52 =	vand.u32 $0x7FFFFFFF, v6;
	v7 =	vmul.f32 v32, v28;
	v5 =	vadd.f32 $0.0e+00, v5  }
0x96: {  	v50 =	vmul.f32 v47, v9;
	v53 =	vadd.f32 $-5.000000000e-01, v52;
	v6 =	vmul.f32 v51, v6  }
0x97: {  	v7 =	vsel vm2, v7, v36;
	vm2 =	vlt.f32 v52, $1.000000000e+00;
	v5 =	vsel vm1, v5, v34  }
0x98: {  	vm1 =	vlt.f32 v40, $1.000000000e+00;
	v5 =	vadd.f32 v7, v5;
	v7 =	vsub.f32 v42, v44  }
0x99: {  	v56 =	vsel vm2, v6, v53;
	v4 =	vsel vm1, v4, v41;
	vm1 =	vlt.f32 v43, $1.000000000e+00  }
0x9a: {  	v4 =	vadd.f32 v4, v5;
	v5 =	vadd.f32 $0.0e+00, v50;
	v54 =	vmul.f32 $5.000000000e-01, v7  }
0x9b: {  	v55 =	vld [tilespmem:s18+$0x1331C];
	v2 =	vsel vm1, v2, v45;
	vm1 =	vlt.f32 v49, $1.000000000e+00;
	v57 =	vand.u32 $0x7FFFFFFF, v7  }
0x9c: {  	v58 =	vld [tilespmem:$0x15528];
	v59 =	vadd.f32 $-5.000000000e-01, v57;
	v3 =	vsel vm1, v5, v3;
	v7 =	vmul.f32 v54, v7  }
0x9d: {  	v60 =	vand.u32 $0x7FFFFFFF, v8;
	vm1 =	vlt.f32 v57, $1.000000000e+00;
	v3 =	vadd.f32 v56, v3  }
0x9e: {  	v62 =	vadd.f32 $-5.000000000e-01, v60;
	v61 =	vmul.f32 v12, v8;
	v6 =	vsel vm1, v7, v59  }
0x9f: {  	v2 =	vadd.f32 v2, v4;
	vm1 =	vlt.f32 v60, $1.000000000e+00;
	v3 =	vadd.f32 v6, v3  }
0xa0: {  	v0 =	vadd.f32 v1, v0;
	vm2 =	vgt.s32 v55, $0x0;
	v63 =	vsel vm1, v61, v62  }
0xa1: {  	v2 =	vnsel vm2, $0x0, v2;
	vm1 =	vgt.s32 v58, $0x0;
	v1 =	vadd.f32 v63, v3  }
0xa2: {  	v0 =	vadd.f32 v2, v0;
	vm1 =	vmand vm1, vm0  }
0xa3: {  	v1 =	vnsel vm1, $0x0, v1  }
0xa4: {  	s17 =	sadd.s32 $0x1, s17;
	v0 =	vadd.f32 v1, v0  }
0xa5: {  	p0 =	sne.s32 s17, s10  }
.Ltmp2:
0xa6: {  	[tilespmem:$0x15580] =	vst v0;
	(pc) =	sbr.rel @p0 .LBB2_1-.Ltmp2, $4  }
0xa7: {  	[hbm4b:s9+s2] =	stream.linear.scatter [tilespmem:s16], [sflag:$0x1], $0x80, $0x38;
	[tilespmem:$0x15600] =	vst v63  }
0xa8: {  	_ =	swait.ge [sflag:s12], $0x80  }
0xa9: {  	[sflag:s12] =	ssyncset.done $0x0  }
0xaa: {  	[sflag:s12] =	ssyncadd.s32 $0xFFFFFF80  }
0xab: {  	_ =	sfence.sel $0x180000  }
0xac: {  	[bflag:$0x0] =	sbarrier.arrive $0xFFFF  }
0xad: {  	p0 =	sne.s32 s1, $0x0;
	_ =	strace $0x90000047  }
0xae: {  	s0 =	sadd.s32 @!p0 $0x100000, s0;
	[bflag:$0x2] =	sbarrier.arrive $0xFFFF  }
0xaf: {  	[sflag:s0] =	ssyncadd.tile.s32 @!p0 $0x1;
	_ =	shalt  }
.Lfunc_end2:
_tile_overlayer_lowered:
.L_overlay_start_2:
0xb0: {  	(tag) =	ssettag $0x2  }
0xb1: {  	s0 =	rddreg [dreg:$0x0];
	s2 =	stileid.u32  }
0xb2: {  	s1 =	rddreg [dreg:$0x1];
	p0 =	sne.s32 s2, $0x0  }
0xb3: {  	s3 =	rddreg [dreg:$0x2];
	[bflag:$0x3] =	sbarrier.arrive $0xFFFF;
	s2 =	simm.s32 @!p0 $0x1C01  }
0xb4: {  	[timem:s3], [sflag:s2] =	dma.local @!p0 [hbm:s0], s1  }
0xb5: {  	s0 =	simm.s32 @!p0 $0x1  }
0xb6: {  	_ =	swait.ge @!p0 [sflag:s0], s1  }
0xb7: {  	s1 =	ssub.s32 @!p0 $0x0, s1;
	[sflag:s0] =	ssyncset.done @!p0 $0x0  }
0xb8: {  	[sflag:s0] =	ssyncadd.s32 @!p0 s1  }
0xb9: {  	[bflag:$0x3] =	sbarrier.arrive $0xFFFF  }
0xba: {  	_ =	shalt  }

</sc_bundles>
